<compile_context>
chip_gen: v7x
topology: tpu7x:2x2x1
jax: 0.10.2.dev20260603
libtpu: 0.0.44.dev20260713+nightly
codegen_flags: <defaults>
</compile_context>

<pallas_src>
import functools

import jax
import jax.numpy as jnp
from jax import lax
from jax.experimental import pallas as pl
from jax.experimental.pallas import tpu as pltpu
from jax.experimental.pallas import tpu_sc as plsc

_B, _S, _D = 2, 2048, 768
_E = 64
_DFF = 768
_NC = 10
_C = 80
_T = _B * _S
_TB = 512
_NBLK = _T // _TB
_TRASH = _E * _C
_NW = 32
_TPW = _T // _NW
_WCOLS = 128


def _router_body(x_ref, wg_ref, ltri_ref, slot_ref, wbrow_ref, counts_ref,
                 cnt_scr):
    i = pl.program_id(0)

    @pl.when(i == 0)
    def _():
        cnt_scr[...] = jnp.zeros_like(cnt_scr)

    xb = x_ref[...]
    logits = jnp.dot(xb, wg_ref[...], preferred_element_type=jnp.float32)
    lmax = jnp.max(logits, axis=1, keepdims=True)
    ex = jnp.exp(logits - lmax)
    exmax = jnp.max(ex, axis=1, keepdims=True)
    gate = exmax / jnp.sum(ex, axis=1, keepdims=True)
    lane = lax.broadcasted_iota(jnp.int32, (_TB, _E), 1).astype(jnp.float32)
    idx_f = jnp.min(jnp.where(ex == exmax, lane, float(_E)),
                    axis=1, keepdims=True)
    oh = (lane == idx_f).astype(jnp.float32)

    prefix = jnp.dot(ltri_ref[...], oh, preferred_element_type=jnp.float32)

    cnt = cnt_scr[...]
    pos = jnp.sum(oh * (prefix + cnt), axis=1, keepdims=True)
    slot_f = jnp.where(pos < float(_C), idx_f * float(_C) + pos,
                       float(_TRASH))
    slot_ref[pl.ds(i * (_TB // 128), _TB // 128), :] = (
        slot_f.astype(jnp.int32).reshape(_TB // 128, 128))

    b_idx = (i * _TB >= _S).astype(jnp.int32)
    col = lax.broadcasted_iota(jnp.int32, (_TB, _WCOLS), 1)
    wbrow_ref[...] = jnp.where(col == b_idx, gate, 0.0)

    new_cnt = cnt + jnp.sum(oh, axis=0, keepdims=True)
    cnt_scr[...] = new_cnt
    counts_ref[...] = new_cnt.astype(jnp.int32)


_router = pl.pallas_call(
    _router_body,
    grid=(_NBLK,),
    in_specs=[
        pl.BlockSpec((_TB, _D), lambda i: (i, 0)),
        pl.BlockSpec((_D, _E), lambda i: (0, 0)),
        pl.BlockSpec((_TB, _TB), lambda i: (0, 0)),
    ],
    out_specs=[
        pl.BlockSpec((_T // 128, 128), lambda i: (0, 0)),
        pl.BlockSpec((_TB, _WCOLS), lambda i: (i, 0)),
        pl.BlockSpec((1, _E), lambda i: (0, 0)),
    ],
    out_shape=[
        jax.ShapeDtypeStruct((_T // 128, 128), jnp.int32),
        jax.ShapeDtypeStruct((_T, _WCOLS), jnp.float32),
        jax.ShapeDtypeStruct((1, _E), jnp.int32),
    ],
    scratch_shapes=[pltpu.VMEM((1, _E), jnp.float32)],
)


_HT = _TPW // 2


def _dispatch_body(t_hbm, wbrow_hbm, slot_hbm, disp_hbm, wb_hbm,
                   idx_v, rows_v, wbr_v, sem1, sem2, sem3, sem4):
    wid = lax.axis_index("s") * 2 + lax.axis_index("c")
    base = wid * _TPW
    ld1a = pltpu.async_copy(slot_hbm.at[pl.ds(base, _HT)], idx_v.at[0], sem1)
    ld1b = pltpu.async_copy(slot_hbm.at[pl.ds(base + _HT, _HT)],
                            idx_v.at[1], sem1)
    ldr0 = pltpu.async_copy(t_hbm.at[pl.ds(base, _HT)], rows_v.at[0], sem2)
    ldw0 = pltpu.async_copy(wbrow_hbm.at[pl.ds(base, _HT)], wbr_v.at[0], sem3)
    ldw1 = pltpu.async_copy(wbrow_hbm.at[pl.ds(base + _HT, _HT)],
                            wbr_v.at[1], sem3)
    ldr1 = pltpu.async_copy(t_hbm.at[pl.ds(base + _HT, _HT)], rows_v.at[1],
                            sem4)
    ld1a.wait()
    ld1b.wait()
    ldr0.wait()
    cp0 = pltpu.async_copy(rows_v.at[0], disp_hbm.at[idx_v.at[0]], sem2)
    ldw0.wait()
    ldw1.wait()
    cpw0 = pltpu.async_copy(wbr_v.at[0], wb_hbm.at[idx_v.at[0]], sem3)
    cpw1 = pltpu.async_copy(wbr_v.at[1], wb_hbm.at[idx_v.at[1]], sem3)
    ldr1.wait()
    cp1 = pltpu.async_copy(rows_v.at[1], disp_hbm.at[idx_v.at[1]], sem4)
    cp0.wait()
    cpw0.wait()
    cpw1.wait()
    cp1.wait()


@functools.cache
def _make_dispatch():
    return pl.kernel(
        _dispatch_body,
        out_type=[
            jax.ShapeDtypeStruct((_TRASH + 1, _D), jnp.float32),
            jax.ShapeDtypeStruct((_TRASH + 1, _WCOLS), jnp.float32),
        ],
        mesh=plsc.VectorSubcoreMesh(core_axis_name="c",
                                    subcore_axis_name="s"),
        scratch_types=[
            pltpu.VMEM((2, _HT), jnp.int32),
            pltpu.VMEM((2, _HT, _D), jnp.float32),
            pltpu.VMEM((2, _HT, _WCOLS), jnp.float32),
            pltpu.SemaphoreType.DMA,
            pltpu.SemaphoreType.DMA,
            pltpu.SemaphoreType.DMA,
            pltpu.SemaphoreType.DMA,
        ],
    )


_EB = 2


def _ffn_body(cnt_smem, disp_ref, wb_ref, w1_ref, b1_ref, w2_ref, b2_ref,
              wc_ref, bc_ref, out_ref, acc):
    i = pl.program_id(0)
    contrib = None
    for j in range(_EB):
        nfill = jnp.minimum(cnt_smem[i * _EB + j], _C)
        rmask_d = lax.broadcasted_iota(jnp.int32, (_C, _D), 0) < nfill
        dispc = jnp.where(rmask_d, disp_ref[pl.ds(j * _C, _C), :], 0.0)
        rmask_w = lax.broadcasted_iota(jnp.int32, (_C, _WCOLS), 0) < nfill
        wbc = jnp.where(rmask_w, wb_ref[pl.ds(j * _C, _C), :], 0.0)

        h = jnp.maximum(
            jnp.dot(dispc, w1_ref[j], preferred_element_type=jnp.float32)
            + b1_ref[j], 0.0)
        hb = lax.dot_general(wbc, h, (((0,), (0,)), ((), ())),
                             preferred_element_type=jnp.float32)
        cj = jnp.dot(hb, w2_ref[j], preferred_element_type=jnp.float32)
        ones_col = jnp.ones((_C, 1), jnp.float32)
        s_col = lax.dot_general(wbc, ones_col, (((0,), (0,)), ((), ())),
                                preferred_element_type=jnp.float32)
        cj = cj + s_col * b2_ref[j]
        contrib = cj if contrib is None else contrib + cj

    @pl.when(i == 0)
    def _():
        acc[...] = contrib

    @pl.when(i != 0)
    def _():
        acc[...] = acc[...] + contrib

    @pl.when(i == _E // _EB - 1)
    def _():
        pooled = acc[...] * (1.0 / _S)
        logits = (jnp.dot(pooled, wc_ref[...],
                          preferred_element_type=jnp.float32)
                  + bc_ref[...])
        out_ref[...] = logits[0:_B, :]


_ffn = pl.pallas_call(
    _ffn_body,
    grid_spec=pltpu.PrefetchScalarGridSpec(
        num_scalar_prefetch=1,
        grid=(_E // _EB,),
        in_specs=[
            pl.BlockSpec((_EB * _C, _D), lambda e, cnt: (e, 0)),
            pl.BlockSpec((_EB * _C, _WCOLS), lambda e, cnt: (e, 0)),
            pl.BlockSpec((_EB, _D, _DFF), lambda e, cnt: (e, 0, 0)),
            pl.BlockSpec((_EB, 1, _DFF), lambda e, cnt: (e, 0, 0)),
            pl.BlockSpec((_EB, _DFF, _D), lambda e, cnt: (e, 0, 0)),
            pl.BlockSpec((_EB, 1, _D), lambda e, cnt: (e, 0, 0)),
            pl.BlockSpec((_D, _NC), lambda e, cnt: (0, 0)),
            pl.BlockSpec((1, _NC), lambda e, cnt: (0, 0)),
        ],
        out_specs=pl.BlockSpec((_B, _NC), lambda e, cnt: (0, 0)),
        scratch_shapes=[pltpu.VMEM((_WCOLS, _D), jnp.float32)],
    ),
    out_shape=jax.ShapeDtypeStruct((_B, _NC), jnp.float32),
)


def kernel(x, Wg, W1, b1, W2, b2, Wc, bc):
    t = x.reshape(_T, _D)
    ltri = jnp.tril(jnp.ones((_TB, _TB), jnp.float32), -1)
    slot2, wbrow, counts = _router(t, Wg, ltri)
    slot = slot2.reshape(_T)
    cnt_i = counts.reshape(_E)
    disp, wb = _make_dispatch()(t, wbrow, slot)
    return _ffn(cnt_i, disp, wb, W1, b1.reshape(_E, 1, _DFF), W2,
                b2.reshape(_E, 1, _D), Wc, bc.reshape(1, _NC))

# --- scband reference (transcript-rebuilt; emitter-appended) ---
"""Pipeline reference for scband-working-mo-emodel-44092134260787 (READ-ONLY COPY).

The authoritative reference and input builder live on the scoring server;
editing this copy changes nothing except your own understanding.
"""

import jax, jax.numpy as jnp
import numpy as np

B, S, D = 2, 2048, 768
E = 64
TOPK = 1
DFF = 768
NUM_CLASSES = 10
CAP_FACTOR = 1.25


def setup_inputs(seed: int = 0) -> dict:
    key = jax.random.key(seed)
    ks = jax.random.split(key, 8)
    x = jax.random.normal(ks[0], (B, S, D), dtype=jnp.float32)
    Wg = jax.random.normal(ks[1], (D, E), dtype=jnp.float32) * 0.02
    W1 = jax.random.normal(ks[2], (E, D, DFF), dtype=jnp.float32) * 0.02
    b1 = jnp.zeros((E, DFF), dtype=jnp.float32)
    W2 = jax.random.normal(ks[3], (E, DFF, D), dtype=jnp.float32) * 0.02
    b2 = jnp.zeros((E, D), dtype=jnp.float32)
    Wc = jax.random.normal(ks[4], (D, NUM_CLASSES), dtype=jnp.float32) * 0.02
    bc = jnp.zeros((NUM_CLASSES,), dtype=jnp.float32)
    return {"x": x, "Wg": Wg, "W1": W1, "b1": b1, "W2": W2, "b2": b2, "Wc": Wc, "bc": bc}


def _expert_pool(x, Wg, W1, b1, W2, b2):
    # Switch-style top-1 MoE with capacity, scatter dispatch + gather combine.
    Bn, Sn, Dn = x.shape
    T = Bn * Sn
    t = x.reshape(T, Dn)
    router_logits = t @ Wg                       # [T, E]
    probs = jax.nn.softmax(router_logits, axis=-1)
    gate = jnp.max(probs, axis=-1)               # [T]
    idx = jnp.argmax(probs, axis=-1)             # [T] int
    C = int(np.ceil(CAP_FACTOR * T / E))
    oh = jax.nn.one_hot(idx, E, dtype=jnp.float32)      # [T, E]
    pos = (jnp.cumsum(oh, axis=0) * oh - oh).sum(axis=-1).astype(jnp.int32)  # position within expert
    keep = pos < C                                # drop tokens over capacity
    safe_pos = jnp.where(keep, pos, 0)
    keep_f = keep.astype(x.dtype)
    # scatter-add dispatch into expert buffers [E, C, D]
    disp = jnp.zeros((E, C, Dn), dtype=x.dtype).at[idx, safe_pos].add(t * keep_f[:, None])
    # per-expert FFN
    h = jax.nn.relu(jnp.einsum('ecd,edf->ecf', disp, W1) + b1[:, None, :])
    out_buf = jnp.einsum('ecf,efd->ecd', h, W2) + b2[:, None, :]
    # gather combine, weighted by gate prob
    y = out_buf[idx, safe_pos] * (gate * keep_f)[:, None]
    # auxiliary load-balancing loss (returned by ExpertPool, unused downstream)
    aux = E * jnp.sum(jnp.mean(oh, axis=0) * jnp.mean(probs, axis=0))
    return y.reshape(Bn, Sn, Dn), aux


def reference(x, Wg, W1, b1, W2, b2, Wc, bc):
    expert_output, aux_losses = _expert_pool(x, Wg, W1, b1, W2, b2)
    pooled_output = expert_output.mean(axis=1)   # mean over sequence dim
    logits = pooled_output @ Wc + bc
    return logits

if __name__ == "__main__":
    import jax
    _d = setup_inputs()
    print(jax.jit(kernel)(*tuple(_d.values())))

</pallas_src>

<mosaic_0001>
#map = affine_map<(d0, d1) -> (0, 0)>
#map1 = affine_map<(d0, d1) -> (0)>
module attributes {stable_mosaic.version = 14 : i64} {
  func.func @_dispatch_body(%arg0: i32, %arg1: i32, %arg2: memref<4096x768xf32, #tpu.memory_space<hbm>>, %arg3: memref<4096x128xf32, #tpu.memory_space<hbm>>, %arg4: memref<4096xi32, #tpu.memory_space<hbm>>, %arg5: memref<5121x768xf32, #tpu.memory_space<hbm>>, %arg6: memref<5121x128xf32, #tpu.memory_space<hbm>>, %arg7: memref<2x64xi32, #tpu.memory_space<vmem>>, %arg8: memref<2x64x768xf32, #tpu.memory_space<vmem>>, %arg9: memref<2x64x128xf32, #tpu.memory_space<vmem>>, %arg10: memref<!tpu.dma_semaphore, #tpu.memory_space<semaphore_mem>>, %arg11: memref<!tpu.dma_semaphore, #tpu.memory_space<semaphore_mem>>, %arg12: memref<!tpu.dma_semaphore, #tpu.memory_space<semaphore_mem>>, %arg13: memref<!tpu.dma_semaphore, #tpu.memory_space<semaphore_mem>>) attributes {dimension_semantics = [#tpu.dimension_semantics<core_parallel>, #tpu.dimension_semantics<subcore_parallel>], iteration_bounds = array<i64: 2, 16>, scalar_prefetch = 0 : i64, scratch_operands = 7 : i64, tpu.core_type = #tpu.core_type<sc_vector_subcore>, window_params = [{transform_indices = #map}, {transform_indices = #map}, {transform_indices = #map1}, {transform_indices = #map}, {transform_indices = #map}]} {
    %mul3A = arith.constant 2 : i32
    %mul3A_0 = arith.muli %arg1, %mul3A : i32
    %add3A = arith.addi %mul3A_0, %arg0 : i32
    %mul3A_1 = arith.constant 128 : i32
    %mul3A_2 = arith.muli %add3A, %mul3A_1 : i32
    %dma_start3A = arith.constant 0 : i32
    %dma_start3A_3 = arith.constant 0 : i32
    %dma_start3A_4 = tpu.memref_slice %arg7[%dma_start3A, %dma_start3A_3] : memref<2x64xi32, #tpu.memory_space<vmem>> -> memref<1x64xi32, #tpu.memory_space<vmem>>
    %dma_start3A_5 = tpu.memref_squeeze %dma_start3A_4 : memref<1x64xi32, #tpu.memory_space<vmem>> -> memref<64xi32, #tpu.memory_space<vmem>>
    %dma_start3A_6 = tpu.memref_slice %arg4[%mul3A_2] : memref<4096xi32, #tpu.memory_space<hbm>> -> memref<64xi32, #tpu.memory_space<hbm>>
    %dma_start3A_7 = arith.constant 0 : i32
    %dma_start3A_8 = tpu.memref_slice %arg7[%dma_start3A, %dma_start3A_7] : memref<2x64xi32, #tpu.memory_space<vmem>> -> memref<1x64xi32, #tpu.memory_space<vmem>>
    %dma_start3A_9 = tpu.memref_squeeze %dma_start3A_8 : memref<1x64xi32, #tpu.memory_space<vmem>> -> memref<64xi32, #tpu.memory_space<vmem>>
    %dma_start3A_10 = tpu.memref_slice %arg4[%mul3A_2] : memref<4096xi32, #tpu.memory_space<hbm>> -> memref<64xi32, #tpu.memory_space<hbm>>
    tpu.enqueue_dma source(%dma_start3A_10 : memref<64xi32, #tpu.memory_space<hbm>>) target(%dma_start3A_9 : memref<64xi32, #tpu.memory_space<vmem>>) target_semaphore(%arg10 : memref<!tpu.dma_semaphore, #tpu.memory_space<semaphore_mem>>)
    %add3A_11 = arith.constant 64 : i32
    %add3A_12 = arith.addi %mul3A_2, %add3A_11 : i32
    %dma_start3A_13 = arith.constant 1 : i32
    %dma_start3A_14 = arith.constant 0 : i32
    %dma_start3A_15 = tpu.memref_slice %arg7[%dma_start3A_13, %dma_start3A_14] : memref<2x64xi32, #tpu.memory_space<vmem>> -> memref<1x64xi32, #tpu.memory_space<vmem>>
    %dma_start3A_16 = tpu.memref_squeeze %dma_start3A_15 : memref<1x64xi32, #tpu.memory_space<vmem>> -> memref<64xi32, #tpu.memory_space<vmem>>
    %dma_start3A_17 = tpu.memref_slice %arg4[%add3A_12] : memref<4096xi32, #tpu.memory_space<hbm>> -> memref<64xi32, #tpu.memory_space<hbm>>
    %dma_start3A_18 = arith.constant 0 : i32
    %dma_start3A_19 = tpu.memref_slice %arg7[%dma_start3A_13, %dma_start3A_18] : memref<2x64xi32, #tpu.memory_space<vmem>> -> memref<1x64xi32, #tpu.memory_space<vmem>>
    %dma_start3A_20 = tpu.memref_squeeze %dma_start3A_19 : memref<1x64xi32, #tpu.memory_space<vmem>> -> memref<64xi32, #tpu.memory_space<vmem>>
    %dma_start3A_21 = tpu.memref_slice %arg4[%add3A_12] : memref<4096xi32, #tpu.memory_space<hbm>> -> memref<64xi32, #tpu.memory_space<hbm>>
    tpu.enqueue_dma source(%dma_start3A_21 : memref<64xi32, #tpu.memory_space<hbm>>) target(%dma_start3A_20 : memref<64xi32, #tpu.memory_space<vmem>>) target_semaphore(%arg10 : memref<!tpu.dma_semaphore, #tpu.memory_space<semaphore_mem>>)
    %dma_start3A_22 = arith.constant 0 : i32
    %dma_start3A_23 = arith.constant 0 : i32
    %dma_start3A_24 = arith.constant 0 : i32
    %dma_start3A_25 = tpu.memref_slice %arg8[%dma_start3A_22, %dma_start3A_23, %dma_start3A_24] : memref<2x64x768xf32, #tpu.memory_space<vmem>> -> memref<1x64x768xf32, #tpu.memory_space<vmem>>
    %dma_start3A_26 = tpu.memref_squeeze %dma_start3A_25 : memref<1x64x768xf32, #tpu.memory_space<vmem>> -> memref<64x768xf32, #tpu.memory_space<vmem>>
    %dma_start3A_27 = arith.constant 0 : i32
    %dma_start3A_28 = tpu.memref_slice %arg2[%mul3A_2, %dma_start3A_27] : memref<4096x768xf32, #tpu.memory_space<hbm>> -> memref<64x768xf32, #tpu.memory_space<hbm>>
    %dma_start3A_29 = arith.constant 0 : i32
    %dma_start3A_30 = arith.constant 0 : i32
    %dma_start3A_31 = tpu.memref_slice %arg8[%dma_start3A_22, %dma_start3A_29, %dma_start3A_30] : memref<2x64x768xf32, #tpu.memory_space<vmem>> -> memref<1x64x768xf32, #tpu.memory_space<vmem>>
    %dma_start3A_32 = tpu.memref_squeeze %dma_start3A_31 : memref<1x64x768xf32, #tpu.memory_space<vmem>> -> memref<64x768xf32, #tpu.memory_space<vmem>>
    %dma_start3A_33 = arith.constant 0 : i32
    %dma_start3A_34 = tpu.memref_slice %arg2[%mul3A_2, %dma_start3A_33] : memref<4096x768xf32, #tpu.memory_space<hbm>> -> memref<64x768xf32, #tpu.memory_space<hbm>>
    tpu.enqueue_dma source(%dma_start3A_34 : memref<64x768xf32, #tpu.memory_space<hbm>>) target(%dma_start3A_32 : memref<64x768xf32, #tpu.memory_space<vmem>>) target_semaphore(%arg11 : memref<!tpu.dma_semaphore, #tpu.memory_space<semaphore_mem>>)
    %dma_start3A_35 = arith.constant 0 : i32
    %dma_start3A_36 = arith.constant 0 : i32
    %dma_start3A_37 = arith.constant 0 : i32
    %dma_start3A_38 = tpu.memref_slice %arg9[%dma_start3A_35, %dma_start3A_36, %dma_start3A_37] : memref<2x64x128xf32, #tpu.memory_space<vmem>> -> memref<1x64x128xf32, #tpu.memory_space<vmem>>
    %dma_start3A_39 = tpu.memref_squeeze %dma_start3A_38 : memref<1x64x128xf32, #tpu.memory_space<vmem>> -> memref<64x128xf32, #tpu.memory_space<vmem>>
    %dma_start3A_40 = arith.constant 0 : i32
    %dma_start3A_41 = tpu.memref_slice %arg3[%mul3A_2, %dma_start3A_40] : memref<4096x128xf32, #tpu.memory_space<hbm>> -> memref<64x128xf32, #tpu.memory_space<hbm>>
    %dma_start3A_42 = arith.constant 0 : i32
    %dma_start3A_43 = arith.constant 0 : i32
    %dma_start3A_44 = tpu.memref_slice %arg9[%dma_start3A_35, %dma_start3A_42, %dma_start3A_43] : memref<2x64x128xf32, #tpu.memory_space<vmem>> -> memref<1x64x128xf32, #tpu.memory_space<vmem>>
    %dma_start3A_45 = tpu.memref_squeeze %dma_start3A_44 : memref<1x64x128xf32, #tpu.memory_space<vmem>> -> memref<64x128xf32, #tpu.memory_space<vmem>>
    %dma_start3A_46 = arith.constant 0 : i32
    %dma_start3A_47 = tpu.memref_slice %arg3[%mul3A_2, %dma_start3A_46] : memref<4096x128xf32, #tpu.memory_space<hbm>> -> memref<64x128xf32, #tpu.memory_space<hbm>>
    tpu.enqueue_dma source(%dma_start3A_47 : memref<64x128xf32, #tpu.memory_space<hbm>>) target(%dma_start3A_45 : memref<64x128xf32, #tpu.memory_space<vmem>>) target_semaphore(%arg12 : memref<!tpu.dma_semaphore, #tpu.memory_space<semaphore_mem>>)
    %add3A_48 = arith.constant 64 : i32
    %add3A_49 = arith.addi %mul3A_2, %add3A_48 : i32
    %dma_start3A_50 = arith.constant 1 : i32
    %dma_start3A_51 = arith.constant 0 : i32
    %dma_start3A_52 = arith.constant 0 : i32
    %dma_start3A_53 = tpu.memref_slice %arg9[%dma_start3A_50, %dma_start3A_51, %dma_start3A_52] : memref<2x64x128xf32, #tpu.memory_space<vmem>> -> memref<1x64x128xf32, #tpu.memory_space<vmem>>
    %dma_start3A_54 = tpu.memref_squeeze %dma_start3A_53 : memref<1x64x128xf32, #tpu.memory_space<vmem>> -> memref<64x128xf32, #tpu.memory_space<vmem>>
    %dma_start3A_55 = arith.constant 0 : i32
    %dma_start3A_56 = tpu.memref_slice %arg3[%add3A_49, %dma_start3A_55] : memref<4096x128xf32, #tpu.memory_space<hbm>> -> memref<64x128xf32, #tpu.memory_space<hbm>>
    %dma_start3A_57 = arith.constant 0 : i32
    %dma_start3A_58 = arith.constant 0 : i32
    %dma_start3A_59 = tpu.memref_slice %arg9[%dma_start3A_50, %dma_start3A_57, %dma_start3A_58] : memref<2x64x128xf32, #tpu.memory_space<vmem>> -> memref<1x64x128xf32, #tpu.memory_space<vmem>>
    %dma_start3A_60 = tpu.memref_squeeze %dma_start3A_59 : memref<1x64x128xf32, #tpu.memory_space<vmem>> -> memref<64x128xf32, #tpu.memory_space<vmem>>
    %dma_start3A_61 = arith.constant 0 : i32
    %dma_start3A_62 = tpu.memref_slice %arg3[%add3A_49, %dma_start3A_61] : memref<4096x128xf32, #tpu.memory_space<hbm>> -> memref<64x128xf32, #tpu.memory_space<hbm>>
    tpu.enqueue_dma source(%dma_start3A_62 : memref<64x128xf32, #tpu.memory_space<hbm>>) target(%dma_start3A_60 : memref<64x128xf32, #tpu.memory_space<vmem>>) target_semaphore(%arg12 : memref<!tpu.dma_semaphore, #tpu.memory_space<semaphore_mem>>)
    %add3A_63 = arith.constant 64 : i32
    %add3A_64 = arith.addi %mul3A_2, %add3A_63 : i32
    %dma_start3A_65 = arith.constant 1 : i32
    %dma_start3A_66 = arith.constant 0 : i32
    %dma_start3A_67 = arith.constant 0 : i32
    %dma_start3A_68 = tpu.memref_slice %arg8[%dma_start3A_65, %dma_start3A_66, %dma_start3A_67] : memref<2x64x768xf32, #tpu.memory_space<vmem>> -> memref<1x64x768xf32, #tpu.memory_space<vmem>>
    %dma_start3A_69 = tpu.memref_squeeze %dma_start3A_68 : memref<1x64x768xf32, #tpu.memory_space<vmem>> -> memref<64x768xf32, #tpu.memory_space<vmem>>
    %dma_start3A_70 = arith.constant 0 : i32
    %dma_start3A_71 = tpu.memref_slice %arg2[%add3A_64, %dma_start3A_70] : memref<4096x768xf32, #tpu.memory_space<hbm>> -> memref<64x768xf32, #tpu.memory_space<hbm>>
    %dma_start3A_72 = arith.constant 0 : i32
    %dma_start3A_73 = arith.constant 0 : i32
    %dma_start3A_74 = tpu.memref_slice %arg8[%dma_start3A_65, %dma_start3A_72, %dma_start3A_73] : memref<2x64x768xf32, #tpu.memory_space<vmem>> -> memref<1x64x768xf32, #tpu.memory_space<vmem>>
    %dma_start3A_75 = tpu.memref_squeeze %dma_start3A_74 : memref<1x64x768xf32, #tpu.memory_space<vmem>> -> memref<64x768xf32, #tpu.memory_space<vmem>>
    %dma_start3A_76 = arith.constant 0 : i32
    %dma_start3A_77 = tpu.memref_slice %arg2[%add3A_64, %dma_start3A_76] : memref<4096x768xf32, #tpu.memory_space<hbm>> -> memref<64x768xf32, #tpu.memory_space<hbm>>
    tpu.enqueue_dma source(%dma_start3A_77 : memref<64x768xf32, #tpu.memory_space<hbm>>) target(%dma_start3A_75 : memref<64x768xf32, #tpu.memory_space<vmem>>) target_semaphore(%arg13 : memref<!tpu.dma_semaphore, #tpu.memory_space<semaphore_mem>>)
    %dma_wait3A = arith.constant 0 : i32
    %dma_wait3A_78 = arith.constant 0 : i32
    %dma_wait3A_79 = tpu.memref_slice %arg7[%dma_wait3A, %dma_wait3A_78] : memref<2x64xi32, #tpu.memory_space<vmem>> -> memref<1x64xi32, #tpu.memory_space<vmem>>
    %dma_wait3A_80 = tpu.memref_squeeze %dma_wait3A_79 : memref<1x64xi32, #tpu.memory_space<vmem>> -> memref<64xi32, #tpu.memory_space<vmem>>
    %dma_wait3A_81 = tpu.memref_slice %arg4[%mul3A_2] : memref<4096xi32, #tpu.memory_space<hbm>> -> memref<64xi32, #tpu.memory_space<hbm>>
    %dma_wait3A_82 = arith.constant 0 : i32
    %dma_wait3A_83 = tpu.memref_slice %arg7[%dma_wait3A, %dma_wait3A_82] : memref<2x64xi32, #tpu.memory_space<vmem>> -> memref<1x64xi32, #tpu.memory_space<vmem>>
    %dma_wait3A_84 = tpu.memref_squeeze %dma_wait3A_83 : memref<1x64xi32, #tpu.memory_space<vmem>> -> memref<64xi32, #tpu.memory_space<vmem>>
    %dma_wait3A_85 = tpu.memref_slice %arg4[%mul3A_2] : memref<4096xi32, #tpu.memory_space<hbm>> -> memref<64xi32, #tpu.memory_space<hbm>>
    tpu.wait_dma2 semaphore(%arg10 : memref<!tpu.dma_semaphore, #tpu.memory_space<semaphore_mem>>) src(%dma_wait3A_85 : memref<64xi32, #tpu.memory_space<hbm>>) dst(%dma_wait3A_84 : memref<64xi32, #tpu.memory_space<vmem>>)
    %dma_wait3A_86 = arith.constant 1 : i32
    %dma_wait3A_87 = arith.constant 0 : i32
    %dma_wait3A_88 = tpu.memref_slice %arg7[%dma_wait3A_86, %dma_wait3A_87] : memref<2x64xi32, #tpu.memory_space<vmem>> -> memref<1x64xi32, #tpu.memory_space<vmem>>
    %dma_wait3A_89 = tpu.memref_squeeze %dma_wait3A_88 : memref<1x64xi32, #tpu.memory_space<vmem>> -> memref<64xi32, #tpu.memory_space<vmem>>
    %dma_wait3A_90 = tpu.memref_slice %arg4[%add3A_12] : memref<4096xi32, #tpu.memory_space<hbm>> -> memref<64xi32, #tpu.memory_space<hbm>>
    %dma_wait3A_91 = arith.constant 0 : i32
    %dma_wait3A_92 = tpu.memref_slice %arg7[%dma_wait3A_86, %dma_wait3A_91] : memref<2x64xi32, #tpu.memory_space<vmem>> -> memref<1x64xi32, #tpu.memory_space<vmem>>
    %dma_wait3A_93 = tpu.memref_squeeze %dma_wait3A_92 : memref<1x64xi32, #tpu.memory_space<vmem>> -> memref<64xi32, #tpu.memory_space<vmem>>
    %dma_wait3A_94 = tpu.memref_slice %arg4[%add3A_12] : memref<4096xi32, #tpu.memory_space<hbm>> -> memref<64xi32, #tpu.memory_space<hbm>>
    tpu.wait_dma2 semaphore(%arg10 : memref<!tpu.dma_semaphore, #tpu.memory_space<semaphore_mem>>) src(%dma_wait3A_94 : memref<64xi32, #tpu.memory_space<hbm>>) dst(%dma_wait3A_93 : memref<64xi32, #tpu.memory_space<vmem>>)
    %dma_wait3A_95 = arith.constant 0 : i32
    %dma_wait3A_96 = arith.constant 0 : i32
    %dma_wait3A_97 = arith.constant 0 : i32
    %dma_wait3A_98 = tpu.memref_slice %arg8[%dma_wait3A_95, %dma_wait3A_96, %dma_wait3A_97] : memref<2x64x768xf32, #tpu.memory_space<vmem>> -> memref<1x64x768xf32, #tpu.memory_space<vmem>>
    %dma_wait3A_99 = tpu.memref_squeeze %dma_wait3A_98 : memref<1x64x768xf32, #tpu.memory_space<vmem>> -> memref<64x768xf32, #tpu.memory_space<vmem>>
    %dma_wait3A_100 = arith.constant 0 : i32
    %dma_wait3A_101 = tpu.memref_slice %arg2[%mul3A_2, %dma_wait3A_100] : memref<4096x768xf32, #tpu.memory_space<hbm>> -> memref<64x768xf32, #tpu.memory_space<hbm>>
    %dma_wait3A_102 = arith.constant 0 : i32
    %dma_wait3A_103 = arith.constant 0 : i32
    %dma_wait3A_104 = tpu.memref_slice %arg8[%dma_wait3A_95, %dma_wait3A_102, %dma_wait3A_103] : memref<2x64x768xf32, #tpu.memory_space<vmem>> -> memref<1x64x768xf32, #tpu.memory_space<vmem>>
    %dma_wait3A_105 = tpu.memref_squeeze %dma_wait3A_104 : memref<1x64x768xf32, #tpu.memory_space<vmem>> -> memref<64x768xf32, #tpu.memory_space<vmem>>
    %dma_wait3A_106 = arith.constant 0 : i32
    %dma_wait3A_107 = tpu.memref_slice %arg2[%mul3A_2, %dma_wait3A_106] : memref<4096x768xf32, #tpu.memory_space<hbm>> -> memref<64x768xf32, #tpu.memory_space<hbm>>
    tpu.wait_dma2 semaphore(%arg11 : memref<!tpu.dma_semaphore, #tpu.memory_space<semaphore_mem>>) src(%dma_wait3A_107 : memref<64x768xf32, #tpu.memory_space<hbm>>) dst(%dma_wait3A_105 : memref<64x768xf32, #tpu.memory_space<vmem>>)
    %dma_start3A_108 = arith.constant 0 : i32
    %dma_start3A_109 = arith.constant 0 : i32
    %dma_start3A_110 = arith.constant 0 : i32
    %dma_start3A_111 = arith.constant 0 : i32
    %dma_start3A_112 = tpu.memref_slice %arg8[%dma_start3A_108, %dma_start3A_110, %dma_start3A_111] : memref<2x64x768xf32, #tpu.memory_space<vmem>> -> memref<1x64x768xf32, #tpu.memory_space<vmem>>
    %dma_start3A_113 = tpu.memref_squeeze %dma_start3A_112 : memref<1x64x768xf32, #tpu.memory_space<vmem>> -> memref<64x768xf32, #tpu.memory_space<vmem>>
    %dma_start3A_114 = arith.constant 0 : i32
    %dma_start3A_115 = tpu.memref_slice %arg7[%dma_start3A_109, %dma_start3A_114] : memref<2x64xi32, #tpu.memory_space<vmem>> -> memref<1x64xi32, #tpu.memory_space<vmem>>
    %dma_start3A_116 = tpu.memref_squeeze %dma_start3A_115 : memref<1x64xi32, #tpu.memory_space<vmem>> -> memref<64xi32, #tpu.memory_space<vmem>>
    %dma_start3A_117 = arith.constant 0 : i32
    %dma_start3A_118 = arith.constant 0 : i32
    %dma_start3A_119 = tpu.memref_slice %arg5[%dma_start3A_117, %dma_start3A_118] : memref<5121x768xf32, #tpu.memory_space<hbm>> -> memref<5121x768xf32, #tpu.memory_space<hbm>>
    tpu.enqueue_indirect_dma source(%dma_start3A_113 : memref<64x768xf32, #tpu.memory_space<vmem>>) target(%dma_start3A_119 : memref<5121x768xf32, #tpu.memory_space<hbm>>) offsets(%dma_start3A_116 : memref<64xi32, #tpu.memory_space<vmem>>) semaphore(%arg11 : memref<!tpu.dma_semaphore, #tpu.memory_space<semaphore_mem>>)
    %dma_wait3A_120 = arith.constant 0 : i32
    %dma_wait3A_121 = arith.constant 0 : i32
    %dma_wait3A_122 = arith.constant 0 : i32
    %dma_wait3A_123 = tpu.memref_slice %arg9[%dma_wait3A_120, %dma_wait3A_121, %dma_wait3A_122] : memref<2x64x128xf32, #tpu.memory_space<vmem>> -> memref<1x64x128xf32, #tpu.memory_space<vmem>>
    %dma_wait3A_124 = tpu.memref_squeeze %dma_wait3A_123 : memref<1x64x128xf32, #tpu.memory_space<vmem>> -> memref<64x128xf32, #tpu.memory_space<vmem>>
    %dma_wait3A_125 = arith.constant 0 : i32
    %dma_wait3A_126 = tpu.memref_slice %arg3[%mul3A_2, %dma_wait3A_125] : memref<4096x128xf32, #tpu.memory_space<hbm>> -> memref<64x128xf32, #tpu.memory_space<hbm>>
    %dma_wait3A_127 = arith.constant 0 : i32
    %dma_wait3A_128 = arith.constant 0 : i32
    %dma_wait3A_129 = tpu.memref_slice %arg9[%dma_wait3A_120, %dma_wait3A_127, %dma_wait3A_128] : memref<2x64x128xf32, #tpu.memory_space<vmem>> -> memref<1x64x128xf32, #tpu.memory_space<vmem>>
    %dma_wait3A_130 = tpu.memref_squeeze %dma_wait3A_129 : memref<1x64x128xf32, #tpu.memory_space<vmem>> -> memref<64x128xf32, #tpu.memory_space<vmem>>
    %dma_wait3A_131 = arith.constant 0 : i32
    %dma_wait3A_132 = tpu.memref_slice %arg3[%mul3A_2, %dma_wait3A_131] : memref<4096x128xf32, #tpu.memory_space<hbm>> -> memref<64x128xf32, #tpu.memory_space<hbm>>
    tpu.wait_dma2 semaphore(%arg12 : memref<!tpu.dma_semaphore, #tpu.memory_space<semaphore_mem>>) src(%dma_wait3A_132 : memref<64x128xf32, #tpu.memory_space<hbm>>) dst(%dma_wait3A_130 : memref<64x128xf32, #tpu.memory_space<vmem>>)
    %dma_wait3A_133 = arith.constant 1 : i32
    %dma_wait3A_134 = arith.constant 0 : i32
    %dma_wait3A_135 = arith.constant 0 : i32
    %dma_wait3A_136 = tpu.memref_slice %arg9[%dma_wait3A_133, %dma_wait3A_134, %dma_wait3A_135] : memref<2x64x128xf32, #tpu.memory_space<vmem>> -> memref<1x64x128xf32, #tpu.memory_space<vmem>>
    %dma_wait3A_137 = tpu.memref_squeeze %dma_wait3A_136 : memref<1x64x128xf32, #tpu.memory_space<vmem>> -> memref<64x128xf32, #tpu.memory_space<vmem>>
    %dma_wait3A_138 = arith.constant 0 : i32
    %dma_wait3A_139 = tpu.memref_slice %arg3[%add3A_49, %dma_wait3A_138] : memref<4096x128xf32, #tpu.memory_space<hbm>> -> memref<64x128xf32, #tpu.memory_space<hbm>>
    %dma_wait3A_140 = arith.constant 0 : i32
    %dma_wait3A_141 = arith.constant 0 : i32
    %dma_wait3A_142 = tpu.memref_slice %arg9[%dma_wait3A_133, %dma_wait3A_140, %dma_wait3A_141] : memref<2x64x128xf32, #tpu.memory_space<vmem>> -> memref<1x64x128xf32, #tpu.memory_space<vmem>>
    %dma_wait3A_143 = tpu.memref_squeeze %dma_wait3A_142 : memref<1x64x128xf32, #tpu.memory_space<vmem>> -> memref<64x128xf32, #tpu.memory_space<vmem>>
    %dma_wait3A_144 = arith.constant 0 : i32
    %dma_wait3A_145 = tpu.memref_slice %arg3[%add3A_49, %dma_wait3A_144] : memref<4096x128xf32, #tpu.memory_space<hbm>> -> memref<64x128xf32, #tpu.memory_space<hbm>>
    tpu.wait_dma2 semaphore(%arg12 : memref<!tpu.dma_semaphore, #tpu.memory_space<semaphore_mem>>) src(%dma_wait3A_145 : memref<64x128xf32, #tpu.memory_space<hbm>>) dst(%dma_wait3A_143 : memref<64x128xf32, #tpu.memory_space<vmem>>)
    %dma_start3A_146 = arith.constant 0 : i32
    %dma_start3A_147 = arith.constant 0 : i32
    %dma_start3A_148 = arith.constant 0 : i32
    %dma_start3A_149 = arith.constant 0 : i32
    %dma_start3A_150 = tpu.memref_slice %arg9[%dma_start3A_146, %dma_start3A_148, %dma_start3A_149] : memref<2x64x128xf32, #tpu.memory_space<vmem>> -> memref<1x64x128xf32, #tpu.memory_space<vmem>>
    %dma_start3A_151 = tpu.memref_squeeze %dma_start3A_150 : memref<1x64x128xf32, #tpu.memory_space<vmem>> -> memref<64x128xf32, #tpu.memory_space<vmem>>
    %dma_start3A_152 = arith.constant 0 : i32
    %dma_start3A_153 = tpu.memref_slice %arg7[%dma_start3A_147, %dma_start3A_152] : memref<2x64xi32, #tpu.memory_space<vmem>> -> memref<1x64xi32, #tpu.memory_space<vmem>>
    %dma_start3A_154 = tpu.memref_squeeze %dma_start3A_153 : memref<1x64xi32, #tpu.memory_space<vmem>> -> memref<64xi32, #tpu.memory_space<vmem>>
    %dma_start3A_155 = arith.constant 0 : i32
    %dma_start3A_156 = arith.constant 0 : i32
    %dma_start3A_157 = tpu.memref_slice %arg6[%dma_start3A_155, %dma_start3A_156] : memref<5121x128xf32, #tpu.memory_space<hbm>> -> memref<5121x128xf32, #tpu.memory_space<hbm>>
    tpu.enqueue_indirect_dma source(%dma_start3A_151 : memref<64x128xf32, #tpu.memory_space<vmem>>) target(%dma_start3A_157 : memref<5121x128xf32, #tpu.memory_space<hbm>>) offsets(%dma_start3A_154 : memref<64xi32, #tpu.memory_space<vmem>>) semaphore(%arg12 : memref<!tpu.dma_semaphore, #tpu.memory_space<semaphore_mem>>)
    %dma_start3A_158 = arith.constant 1 : i32
    %dma_start3A_159 = arith.constant 1 : i32
    %dma_start3A_160 = arith.constant 0 : i32
    %dma_start3A_161 = arith.constant 0 : i32
    %dma_start3A_162 = tpu.memref_slice %arg9[%dma_start3A_158, %dma_start3A_160, %dma_start3A_161] : memref<2x64x128xf32, #tpu.memory_space<vmem>> -> memref<1x64x128xf32, #tpu.memory_space<vmem>>
    %dma_start3A_163 = tpu.memref_squeeze %dma_start3A_162 : memref<1x64x128xf32, #tpu.memory_space<vmem>> -> memref<64x128xf32, #tpu.memory_space<vmem>>
    %dma_start3A_164 = arith.constant 0 : i32
    %dma_start3A_165 = tpu.memref_slice %arg7[%dma_start3A_159, %dma_start3A_164] : memref<2x64xi32, #tpu.memory_space<vmem>> -> memref<1x64xi32, #tpu.memory_space<vmem>>
    %dma_start3A_166 = tpu.memref_squeeze %dma_start3A_165 : memref<1x64xi32, #tpu.memory_space<vmem>> -> memref<64xi32, #tpu.memory_space<vmem>>
    %dma_start3A_167 = arith.constant 0 : i32
    %dma_start3A_168 = arith.constant 0 : i32
    %dma_start3A_169 = tpu.memref_slice %arg6[%dma_start3A_167, %dma_start3A_168] : memref<5121x128xf32, #tpu.memory_space<hbm>> -> memref<5121x128xf32, #tpu.memory_space<hbm>>
    tpu.enqueue_indirect_dma source(%dma_start3A_163 : memref<64x128xf32, #tpu.memory_space<vmem>>) target(%dma_start3A_169 : memref<5121x128xf32, #tpu.memory_space<hbm>>) offsets(%dma_start3A_166 : memref<64xi32, #tpu.memory_space<vmem>>) semaphore(%arg12 : memref<!tpu.dma_semaphore, #tpu.memory_space<semaphore_mem>>)
    %dma_wait3A_170 = arith.constant 1 : i32
    %dma_wait3A_171 = arith.constant 0 : i32
    %dma_wait3A_172 = arith.constant 0 : i32
    %dma_wait3A_173 = tpu.memref_slice %arg8[%dma_wait3A_170, %dma_wait3A_171, %dma_wait3A_172] : memref<2x64x768xf32, #tpu.memory_space<vmem>> -> memref<1x64x768xf32, #tpu.memory_space<vmem>>
    %dma_wait3A_174 = tpu.memref_squeeze %dma_wait3A_173 : memref<1x64x768xf32, #tpu.memory_space<vmem>> -> memref<64x768xf32, #tpu.memory_space<vmem>>
    %dma_wait3A_175 = arith.constant 0 : i32
    %dma_wait3A_176 = tpu.memref_slice %arg2[%add3A_64, %dma_wait3A_175] : memref<4096x768xf32, #tpu.memory_space<hbm>> -> memref<64x768xf32, #tpu.memory_space<hbm>>
    %dma_wait3A_177 = arith.constant 0 : i32
    %dma_wait3A_178 = arith.constant 0 : i32
    %dma_wait3A_179 = tpu.memref_slice %arg8[%dma_wait3A_170, %dma_wait3A_177, %dma_wait3A_178] : memref<2x64x768xf32, #tpu.memory_space<vmem>> -> memref<1x64x768xf32, #tpu.memory_space<vmem>>
    %dma_wait3A_180 = tpu.memref_squeeze %dma_wait3A_179 : memref<1x64x768xf32, #tpu.memory_space<vmem>> -> memref<64x768xf32, #tpu.memory_space<vmem>>
    %dma_wait3A_181 = arith.constant 0 : i32
    %dma_wait3A_182 = tpu.memref_slice %arg2[%add3A_64, %dma_wait3A_181] : memref<4096x768xf32, #tpu.memory_space<hbm>> -> memref<64x768xf32, #tpu.memory_space<hbm>>
    tpu.wait_dma2 semaphore(%arg13 : memref<!tpu.dma_semaphore, #tpu.memory_space<semaphore_mem>>) src(%dma_wait3A_182 : memref<64x768xf32, #tpu.memory_space<hbm>>) dst(%dma_wait3A_180 : memref<64x768xf32, #tpu.memory_space<vmem>>)
    %dma_start3A_183 = arith.constant 1 : i32
    %dma_start3A_184 = arith.constant 1 : i32
    %dma_start3A_185 = arith.constant 0 : i32
    %dma_start3A_186 = arith.constant 0 : i32
    %dma_start3A_187 = tpu.memref_slice %arg8[%dma_start3A_183, %dma_start3A_185, %dma_start3A_186] : memref<2x64x768xf32, #tpu.memory_space<vmem>> -> memref<1x64x768xf32, #tpu.memory_space<vmem>>
    %dma_start3A_188 = tpu.memref_squeeze %dma_start3A_187 : memref<1x64x768xf32, #tpu.memory_space<vmem>> -> memref<64x768xf32, #tpu.memory_space<vmem>>
    %dma_start3A_189 = arith.constant 0 : i32
    %dma_start3A_190 = tpu.memref_slice %arg7[%dma_start3A_184, %dma_start3A_189] : memref<2x64xi32, #tpu.memory_space<vmem>> -> memref<1x64xi32, #tpu.memory_space<vmem>>
    %dma_start3A_191 = tpu.memref_squeeze %dma_start3A_190 : memref<1x64xi32, #tpu.memory_space<vmem>> -> memref<64xi32, #tpu.memory_space<vmem>>
    %dma_start3A_192 = arith.constant 0 : i32
    %dma_start3A_193 = arith.constant 0 : i32
    %dma_start3A_194 = tpu.memref_slice %arg5[%dma_start3A_192, %dma_start3A_193] : memref<5121x768xf32, #tpu.memory_space<hbm>> -> memref<5121x768xf32, #tpu.memory_space<hbm>>
    tpu.enqueue_indirect_dma source(%dma_start3A_188 : memref<64x768xf32, #tpu.memory_space<vmem>>) target(%dma_start3A_194 : memref<5121x768xf32, #tpu.memory_space<hbm>>) offsets(%dma_start3A_191 : memref<64xi32, #tpu.memory_space<vmem>>) semaphore(%arg13 : memref<!tpu.dma_semaphore, #tpu.memory_space<semaphore_mem>>)
    %dma_wait3A_195 = arith.constant 0 : i32
    %dma_wait3A_196 = arith.constant 0 : i32
    %dma_wait3A_197 = arith.constant 0 : i32
    %dma_wait3A_198 = arith.constant 0 : i32
    %dma_wait3A_199 = tpu.memref_slice %arg8[%dma_wait3A_195, %dma_wait3A_197, %dma_wait3A_198] : memref<2x64x768xf32, #tpu.memory_space<vmem>> -> memref<1x64x768xf32, #tpu.memory_space<vmem>>
    %dma_wait3A_200 = tpu.memref_squeeze %dma_wait3A_199 : memref<1x64x768xf32, #tpu.memory_space<vmem>> -> memref<64x768xf32, #tpu.memory_space<vmem>>
    %dma_wait3A_201 = arith.constant 0 : i32
    %dma_wait3A_202 = tpu.memref_slice %arg7[%dma_wait3A_196, %dma_wait3A_201] : memref<2x64xi32, #tpu.memory_space<vmem>> -> memref<1x64xi32, #tpu.memory_space<vmem>>
    %dma_wait3A_203 = tpu.memref_squeeze %dma_wait3A_202 : memref<1x64xi32, #tpu.memory_space<vmem>> -> memref<64xi32, #tpu.memory_space<vmem>>
    %dma_wait3A_204 = arith.constant 0 : i32
    %dma_wait3A_205 = arith.constant 0 : i32
    %dma_wait3A_206 = tpu.memref_slice %arg5[%dma_wait3A_204, %dma_wait3A_205] : memref<5121x768xf32, #tpu.memory_space<hbm>> -> memref<5121x768xf32, #tpu.memory_space<hbm>>
    tpu.wait_indirect_dma semaphore(%arg11 : memref<!tpu.dma_semaphore, #tpu.memory_space<semaphore_mem>>) src(%dma_wait3A_200 : memref<64x768xf32, #tpu.memory_space<vmem>>) dst(%dma_wait3A_206 : memref<5121x768xf32, #tpu.memory_space<hbm>>)
    %dma_wait3A_207 = arith.constant 0 : i32
    %dma_wait3A_208 = arith.constant 0 : i32
    %dma_wait3A_209 = arith.constant 0 : i32
    %dma_wait3A_210 = arith.constant 0 : i32
    %dma_wait3A_211 = tpu.memref_slice %arg9[%dma_wait3A_207, %dma_wait3A_209, %dma_wait3A_210] : memref<2x64x128xf32, #tpu.memory_space<vmem>> -> memref<1x64x128xf32, #tpu.memory_space<vmem>>
    %dma_wait3A_212 = tpu.memref_squeeze %dma_wait3A_211 : memref<1x64x128xf32, #tpu.memory_space<vmem>> -> memref<64x128xf32, #tpu.memory_space<vmem>>
    %dma_wait3A_213 = arith.constant 0 : i32
    %dma_wait3A_214 = tpu.memref_slice %arg7[%dma_wait3A_208, %dma_wait3A_213] : memref<2x64xi32, #tpu.memory_space<vmem>> -> memref<1x64xi32, #tpu.memory_space<vmem>>
    %dma_wait3A_215 = tpu.memref_squeeze %dma_wait3A_214 : memref<1x64xi32, #tpu.memory_space<vmem>> -> memref<64xi32, #tpu.memory_space<vmem>>
    %dma_wait3A_216 = arith.constant 0 : i32
    %dma_wait3A_217 = arith.constant 0 : i32
    %dma_wait3A_218 = tpu.memref_slice %arg6[%dma_wait3A_216, %dma_wait3A_217] : memref<5121x128xf32, #tpu.memory_space<hbm>> -> memref<5121x128xf32, #tpu.memory_space<hbm>>
    tpu.wait_indirect_dma semaphore(%arg12 : memref<!tpu.dma_semaphore, #tpu.memory_space<semaphore_mem>>) src(%dma_wait3A_212 : memref<64x128xf32, #tpu.memory_space<vmem>>) dst(%dma_wait3A_218 : memref<5121x128xf32, #tpu.memory_space<hbm>>)
    %dma_wait3A_219 = arith.constant 1 : i32
    %dma_wait3A_220 = arith.constant 1 : i32
    %dma_wait3A_221 = arith.constant 0 : i32
    %dma_wait3A_222 = arith.constant 0 : i32
    %dma_wait3A_223 = tpu.memref_slice %arg9[%dma_wait3A_219, %dma_wait3A_221, %dma_wait3A_222] : memref<2x64x128xf32, #tpu.memory_space<vmem>> -> memref<1x64x128xf32, #tpu.memory_space<vmem>>
    %dma_wait3A_224 = tpu.memref_squeeze %dma_wait3A_223 : memref<1x64x128xf32, #tpu.memory_space<vmem>> -> memref<64x128xf32, #tpu.memory_space<vmem>>
    %dma_wait3A_225 = arith.constant 0 : i32
    %dma_wait3A_226 = tpu.memref_slice %arg7[%dma_wait3A_220, %dma_wait3A_225] : memref<2x64xi32, #tpu.memory_space<vmem>> -> memref<1x64xi32, #tpu.memory_space<vmem>>
    %dma_wait3A_227 = tpu.memref_squeeze %dma_wait3A_226 : memref<1x64xi32, #tpu.memory_space<vmem>> -> memref<64xi32, #tpu.memory_space<vmem>>
    %dma_wait3A_228 = arith.constant 0 : i32
    %dma_wait3A_229 = arith.constant 0 : i32
    %dma_wait3A_230 = tpu.memref_slice %arg6[%dma_wait3A_228, %dma_wait3A_229] : memref<5121x128xf32, #tpu.memory_space<hbm>> -> memref<5121x128xf32, #tpu.memory_space<hbm>>
    tpu.wait_indirect_dma semaphore(%arg12 : memref<!tpu.dma_semaphore, #tpu.memory_space<semaphore_mem>>) src(%dma_wait3A_224 : memref<64x128xf32, #tpu.memory_space<vmem>>) dst(%dma_wait3A_230 : memref<5121x128xf32, #tpu.memory_space<hbm>>)
    %dma_wait3A_231 = arith.constant 1 : i32
    %dma_wait3A_232 = arith.constant 1 : i32
    %dma_wait3A_233 = arith.constant 0 : i32
    %dma_wait3A_234 = arith.constant 0 : i32
    %dma_wait3A_235 = tpu.memref_slice %arg8[%dma_wait3A_231, %dma_wait3A_233, %dma_wait3A_234] : memref<2x64x768xf32, #tpu.memory_space<vmem>> -> memref<1x64x768xf32, #tpu.memory_space<vmem>>
    %dma_wait3A_236 = tpu.memref_squeeze %dma_wait3A_235 : memref<1x64x768xf32, #tpu.memory_space<vmem>> -> memref<64x768xf32, #tpu.memory_space<vmem>>
    %dma_wait3A_237 = arith.constant 0 : i32
    %dma_wait3A_238 = tpu.memref_slice %arg7[%dma_wait3A_232, %dma_wait3A_237] : memref<2x64xi32, #tpu.memory_space<vmem>> -> memref<1x64xi32, #tpu.memory_space<vmem>>
    %dma_wait3A_239 = tpu.memref_squeeze %dma_wait3A_238 : memref<1x64xi32, #tpu.memory_space<vmem>> -> memref<64xi32, #tpu.memory_space<vmem>>
    %dma_wait3A_240 = arith.constant 0 : i32
    %dma_wait3A_241 = arith.constant 0 : i32
    %dma_wait3A_242 = tpu.memref_slice %arg5[%dma_wait3A_240, %dma_wait3A_241] : memref<5121x768xf32, #tpu.memory_space<hbm>> -> memref<5121x768xf32, #tpu.memory_space<hbm>>
    tpu.wait_indirect_dma semaphore(%arg13 : memref<!tpu.dma_semaphore, #tpu.memory_space<semaphore_mem>>) src(%dma_wait3A_236 : memref<64x768xf32, #tpu.memory_space<vmem>>) dst(%dma_wait3A_242 : memref<5121x768xf32, #tpu.memory_space<hbm>>)
    return
  }
}

module attributes {stable_mosaic.version = 14 : i64} {
  func.func @_router_body(%arg0: i32, %arg1: memref<512x768xf32, #tpu.memory_space<vmem>>, %arg2: memref<768x64xf32, #tpu.memory_space<vmem>>, %arg3: memref<512x512xf32, #tpu.memory_space<vmem>>, %arg4: memref<32x128xi32, #tpu.memory_space<vmem>>, %arg5: memref<512x128xf32, #tpu.memory_space<vmem>>, %arg6: memref<1x64xi32, #tpu.memory_space<vmem>>, %arg7: memref<1x64xf32, #tpu.memory_space<vmem>>) attributes {dimension_semantics = [#tpu.dimension_semantics<arbitrary>], iteration_bounds = array<i64: 8>, scalar_prefetch = 0 : i64, scratch_operands = 1 : i64, tpu.core_type = #tpu.core_type<tc>, window_params = [{transform_indices = @transform_0, window_bounds = array<i64: 512, 768>}, {pipeline_mode = #tpu.pipeline_mode<synchronous>, transform_indices = @transform_1, window_bounds = array<i64: 768, 64>}, {pipeline_mode = #tpu.pipeline_mode<synchronous>, transform_indices = @transform_2, window_bounds = array<i64: 512, 512>}, {pipeline_mode = #tpu.pipeline_mode<synchronous>, transform_indices = @transform_3, window_bounds = array<i64: 32, 128>}, {transform_indices = @transform_4, window_bounds = array<i64: 512, 128>}, {pipeline_mode = #tpu.pipeline_mode<synchronous>, transform_indices = @transform_5, window_bounds = array<i64: 1, 64>}]} {
    %eq3A = arith.constant 0 : i32
    %eq3A_0 = arith.cmpi eq, %arg0, %eq3A : i32
    %convert_element_type3A = arith.extui %eq3A_0 : i1 to i32
    %cond3A = arith.constant 0 : i32
    %cond3A_1 = arith.cmpi ne, %convert_element_type3A, %cond3A : i32
    scf.if %cond3A_1 {
      %broadcast_in_dim3A_77 = arith.constant 0.000000e+00 : f32
      %broadcast_in_dim3A_78 = vector.broadcast %broadcast_in_dim3A_77 : f32 to vector<1x64xf32>
      %swap3A_79 = arith.constant 0 : index
      %swap3A_80 = arith.constant 0 : index
      %swap3A_81 = vector.load %arg7[%swap3A_79, %swap3A_80] : memref<1x64xf32, #tpu.memory_space<vmem>>, vector<1x64xf32>
      tpu.vector_store %arg7[%swap3A_79, %swap3A_80], %broadcast_in_dim3A_78 {strides = array<i32>} : memref<1x64xf32, #tpu.memory_space<vmem>>, vector<1x64xf32>,
    } else {
    }
    %get3A = arith.constant 0 : index
    %get3A_2 = arith.constant 0 : index
    %get3A_3 = vector.load %arg1[%get3A, %get3A_2] : memref<512x768xf32, #tpu.memory_space<vmem>>, vector<512x768xf32>
    %get3A_4 = arith.constant 0 : index
    %get3A_5 = arith.constant 0 : index
    %get3A_6 = vector.load %arg2[%get3A_4, %get3A_5] : memref<768x64xf32, #tpu.memory_space<vmem>>, vector<768x64xf32>
    %dot_general3A = arith.constant dense<0.000000e+00> : vector<512x64xf32>
    %dot_general3A_7 = tpu.matmul %get3A_3, %get3A_6, %dot_general3A {dimension_numbers = #tpu.dot_dimension_numbers<[1], [0], [0], [1], [0, 0, 1, 1], [], []>, transpose_lhs_hint = false} : vector<512x768xf32>, vector<768x64xf32>, vector<512x64xf32> -> vector<512x64xf32>
    %reduce_max3A = arith.constant dense<0xFF800000> : vector<512xf32>
    %reduce_max3A_8 = vector.multi_reduction <maximumf>, %dot_general3A_7, %reduce_max3A [1] : vector<512x64xf32> to vector<512xf32>
    %broadcast_in_dim3A = vector.shape_cast %reduce_max3A_8 : vector<512xf32> to vector<512x1xf32>
    %sub3A = vector.broadcast %broadcast_in_dim3A : vector<512x1xf32> to vector<512x64xf32>
    %sub3A_9 = arith.subf %dot_general3A_7, %sub3A : vector<512x64xf32>
    %exp3A = math.exp %sub3A_9 : vector<512x64xf32>
    %reduce_max3A_10 = arith.constant dense<0xFF800000> : vector<512xf32>
    %reduce_max3A_11 = vector.multi_reduction <maximumf>, %exp3A, %reduce_max3A_10 [1] : vector<512x64xf32> to vector<512xf32>
    %broadcast_in_dim3A_12 = vector.shape_cast %reduce_max3A_11 : vector<512xf32> to vector<512x1xf32>
    %reduce_sum3A = arith.constant dense<0.000000e+00> : vector<512xf32>
    %reduce_sum3A_13 = vector.multi_reduction <add>, %exp3A, %reduce_sum3A [1] : vector<512x64xf32> to vector<512xf32>
    %broadcast_in_dim3A_14 = vector.shape_cast %reduce_sum3A_13 : vector<512xf32> to vector<512x1xf32>
    %div3A = arith.divf %broadcast_in_dim3A_12, %broadcast_in_dim3A_14 : vector<512x1xf32>
    %iota3A = tpu.iota {dimensions = array<i32: 1>} : vector<512x64xi32>
    %convert_element_type3A_15 = arith.sitofp %iota3A : vector<512x64xi32> to vector<512x64xf32>
    %eq3A_16 = vector.broadcast %broadcast_in_dim3A_12 : vector<512x1xf32> to vector<512x64xf32>
    %eq3A_17 = arith.cmpf oeq, %exp3A, %eq3A_16 : vector<512x64xf32>
    %jit3A = arith.constant 6.400000e+01 : f32
    %broadcast_in_dim3A_18 = vector.broadcast %jit3A : f32 to vector<512x64xf32>
    %select_n3A = arith.select %eq3A_17, %convert_element_type3A_15, %broadcast_in_dim3A_18 : vector<512x64xi1>, vector<512x64xf32>
    %reduce_min3A = arith.constant dense<0x7F800000> : vector<512xf32>
    %reduce_min3A_19 = vector.multi_reduction <minimumf>, %select_n3A, %reduce_min3A [1] : vector<512x64xf32> to vector<512xf32>
    %broadcast_in_dim3A_20 = vector.shape_cast %reduce_min3A_19 : vector<512xf32> to vector<512x1xf32>
    %eq3A_21 = vector.broadcast %broadcast_in_dim3A_20 : vector<512x1xf32> to vector<512x64xf32>
    %eq3A_22 = arith.cmpf oeq, %convert_element_type3A_15, %eq3A_21 : vector<512x64xf32>
    %convert_element_type3A_23 = arith.extui %eq3A_22 : vector<512x64xi1> to vector<512x64xi32>
    %convert_element_type3A_24 = arith.sitofp %convert_element_type3A_23 : vector<512x64xi32> to vector<512x64xf32>
    %get3A_25 = arith.constant 0 : index
    %get3A_26 = arith.constant 0 : index
    %get3A_27 = vector.load %arg3[%get3A_25, %get3A_26] : memref<512x512xf32, #tpu.memory_space<vmem>>, vector<512x512xf32>
    %dot_general3A_28 = arith.constant dense<0.000000e+00> : vector<512x64xf32>
    %dot_general3A_29 = tpu.matmul %get3A_27, %convert_element_type3A_24, %dot_general3A_28 {dimension_numbers = #tpu.dot_dimension_numbers<[1], [0], [0], [1], [0, 0, 1, 1], [], []>, transpose_lhs_hint = false} : vector<512x512xf32>, vector<512x64xf32>, vector<512x64xf32> -> vector<512x64xf32>
    %get3A_30 = arith.constant 0 : index
    %get3A_31 = arith.constant 0 : index
    %get3A_32 = vector.load %arg7[%get3A_30, %get3A_31] : memref<1x64xf32, #tpu.memory_space<vmem>>, vector<1x64xf32>
    %add3A = vector.broadcast %get3A_32 : vector<1x64xf32> to vector<512x64xf32>
    %add3A_33 = arith.addf %dot_general3A_29, %add3A : vector<512x64xf32>
    %mul3A = arith.mulf %convert_element_type3A_24, %add3A_33 : vector<512x64xf32>
    %reduce_sum3A_34 = arith.constant dense<0.000000e+00> : vector<512xf32>
    %reduce_sum3A_35 = vector.multi_reduction <add>, %mul3A, %reduce_sum3A_34 [1] : vector<512x64xf32> to vector<512xf32>
    %broadcast_in_dim3A_36 = vector.shape_cast %reduce_sum3A_35 : vector<512xf32> to vector<512x1xf32>
    %lt3A = arith.constant 8.000000e+01 : f32
    %lt3A_37 = vector.broadcast %lt3A : f32 to vector<512x1xf32>
    %lt3A_38 = arith.cmpf olt, %broadcast_in_dim3A_36, %lt3A_37 : vector<512x1xf32>
    %mul3A_39 = arith.constant 8.000000e+01 : f32
    %mul3A_40 = vector.broadcast %mul3A_39 : f32 to vector<512x1xf32>
    %mul3A_41 = arith.mulf %broadcast_in_dim3A_20, %mul3A_40 : vector<512x1xf32>
    %add3A_42 = arith.addf %mul3A_41, %broadcast_in_dim3A_36 : vector<512x1xf32>
    %jit3A_43 = arith.constant 5.120000e+03 : f32
    %broadcast_in_dim3A_44 = vector.broadcast %jit3A_43 : f32 to vector<512x1xf32>
    %select_n3A_45 = arith.select %lt3A_38, %add3A_42, %broadcast_in_dim3A_44 : vector<512x1xi1>, vector<512x1xf32>
    %convert_element_type3A_46 = arith.fptosi %select_n3A_45 : vector<512x1xf32> to vector<512x1xi32>
    %reshape3A = vector.shape_cast %convert_element_type3A_46 : vector<512x1xi32> to vector<4x128xi32>
    %mul3A_47 = arith.constant 4 : i32
    %mul3A_48 = arith.muli %arg0, %mul3A_47 : i32
    %swap3A = arith.index_cast %mul3A_48 : i32 to index
    %swap3A_49 = arith.constant 0 : index
    %swap3A_50 = vector.load %arg4[%swap3A, %swap3A_49] : memref<32x128xi32, #tpu.memory_space<vmem>>, vector<4x128xi32>
    tpu.vector_store %arg4[%swap3A, %swap3A_49], %reshape3A {strides = array<i32>} : memref<32x128xi32, #tpu.memory_space<vmem>>, vector<4x128xi32>,
    %mul3A_51 = arith.constant 512 : i32
    %mul3A_52 = arith.muli %arg0, %mul3A_51 : i32
    %ge3A = arith.constant 2048 : i32
    %ge3A_53 = arith.cmpi sge, %mul3A_52, %ge3A : i32
    %convert_element_type3A_54 = arith.extui %ge3A_53 : i1 to i32
    %iota3A_55 = tpu.iota {dimensions = array<i32: 1>} : vector<512x128xi32>
    %eq3A_56 = vector.broadcast %convert_element_type3A_54 : i32 to vector<512x128xi32>
    %eq3A_57 = arith.cmpi eq, %iota3A_55, %eq3A_56 : vector<512x128xi32>
    %jit3A_58 = arith.constant 0.000000e+00 : f32
    %broadcast_in_dim3A_59 = vector.shape_cast %div3A : vector<512x1xf32> to vector<512x1xf32>
    %broadcast_in_dim3A_60 = vector.broadcast %broadcast_in_dim3A_59 : vector<512x1xf32> to vector<512x128xf32>
    %broadcast_in_dim3A_61 = vector.broadcast %jit3A_58 : f32 to vector<512x128xf32>
    %select_n3A_62 = arith.select %eq3A_57, %broadcast_in_dim3A_60, %broadcast_in_dim3A_61 : vector<512x128xi1>, vector<512x128xf32>
    %swap3A_63 = arith.constant 0 : index
    %swap3A_64 = arith.constant 0 : index
    %swap3A_65 = vector.load %arg5[%swap3A_63, %swap3A_64] : memref<512x128xf32, #tpu.memory_space<vmem>>, vector<512x128xf32>
    tpu.vector_store %arg5[%swap3A_63, %swap3A_64], %select_n3A_62 {strides = array<i32>} : memref<512x128xf32, #tpu.memory_space<vmem>>, vector<512x128xf32>,
    %reduce_sum3A_66 = arith.constant dense<0.000000e+00> : vector<64xf32>
    %reduce_sum3A_67 = vector.multi_reduction <add>, %convert_element_type3A_24, %reduce_sum3A_66 [0] : vector<512x64xf32> to vector<64xf32>
    %broadcast_in_dim3A_68 = vector.shape_cast %reduce_sum3A_67 : vector<64xf32> to vector<1x64xf32>
    %add3A_69 = arith.addf %get3A_32, %broadcast_in_dim3A_68 : vector<1x64xf32>
    %swap3A_70 = arith.constant 0 : index
    %swap3A_71 = arith.constant 0 : index
    %swap3A_72 = vector.load %arg7[%swap3A_70, %swap3A_71] : memref<1x64xf32, #tpu.memory_space<vmem>>, vector<1x64xf32>
    tpu.vector_store %arg7[%swap3A_70, %swap3A_71], %add3A_69 {strides = array<i32>} : memref<1x64xf32, #tpu.memory_space<vmem>>, vector<1x64xf32>,
    %convert_element_type3A_73 = arith.fptosi %add3A_69 : vector<1x64xf32> to vector<1x64xi32>
    %swap3A_74 = arith.constant 0 : index
    %swap3A_75 = arith.constant 0 : index
    %swap3A_76 = vector.load %arg6[%swap3A_74, %swap3A_75] : memref<1x64xi32, #tpu.memory_space<vmem>>, vector<1x64xi32>
    tpu.vector_store %arg6[%swap3A_74, %swap3A_75], %convert_element_type3A_73 {strides = array<i32>} : memref<1x64xi32, #tpu.memory_space<vmem>>, vector<1x64xi32>,
    return
  }
  func.func @transform_0(%arg0: i32) -> (i32, i32) {
    %c0_i32 = arith.constant 0 : i32
    %c0_i32_0 = arith.constant 0 : i32
    return %arg0, %c0_i32 : i32, i32
  }
  func.func @transform_1(%arg0: i32) -> (i32, i32) {
    %c0_i32 = arith.constant 0 : i32
    %c0_i32_0 = arith.constant 0 : i32
    %c0_i32_1 = arith.constant 0 : i32
    return %c0_i32, %c0_i32_0 : i32, i32
  }
  func.func @transform_2(%arg0: i32) -> (i32, i32) {
    %c0_i32 = arith.constant 0 : i32
    %c0_i32_0 = arith.constant 0 : i32
    %c0_i32_1 = arith.constant 0 : i32
    return %c0_i32, %c0_i32_0 : i32, i32
  }
  func.func @transform_3(%arg0: i32) -> (i32, i32) {
    %c0_i32 = arith.constant 0 : i32
    %c0_i32_0 = arith.constant 0 : i32
    %c0_i32_1 = arith.constant 0 : i32
    return %c0_i32, %c0_i32_0 : i32, i32
  }
  func.func @transform_4(%arg0: i32) -> (i32, i32) {
    %c0_i32 = arith.constant 0 : i32
    %c0_i32_0 = arith.constant 0 : i32
    return %arg0, %c0_i32 : i32, i32
  }
  func.func @transform_5(%arg0: i32) -> (i32, i32) {
    %c0_i32 = arith.constant 0 : i32
    %c0_i32_0 = arith.constant 0 : i32
    %c0_i32_1 = arith.constant 0 : i32
    return %c0_i32, %c0_i32_0 : i32, i32
  }
}

module attributes {stable_mosaic.version = 14 : i64} {
  func.func @_ffn_body(%arg0: i32, %arg1: memref<64xi32, #tpu.memory_space<smem>>, %arg2: memref<160x768xf32, #tpu.memory_space<vmem>>, %arg3: memref<160x128xf32, #tpu.memory_space<vmem>>, %arg4: memref<2x768x768xf32, #tpu.memory_space<vmem>>, %arg5: memref<2x1x768xf32, #tpu.memory_space<vmem>>, %arg6: memref<2x768x768xf32, #tpu.memory_space<vmem>>, %arg7: memref<2x1x768xf32, #tpu.memory_space<vmem>>, %arg8: memref<768x10xf32, #tpu.memory_space<vmem>>, %arg9: memref<1x10xf32, #tpu.memory_space<vmem>>, %arg10: memref<2x10xf32, #tpu.memory_space<vmem>>, %arg11: memref<128x768xf32, #tpu.memory_space<vmem>>) attributes {dimension_semantics = [#tpu.dimension_semantics<arbitrary>], iteration_bounds = array<i64: 32>, scalar_prefetch = 1 : i64, scratch_operands = 1 : i64, tpu.core_type = #tpu.core_type<tc>, window_params = [{transform_indices = @transform_0, window_bounds = array<i64: 160, 768>}, {transform_indices = @transform_1, window_bounds = array<i64: 160, 128>}, {transform_indices = @transform_2, window_bounds = array<i64: 2, 768, 768>}, {transform_indices = @transform_3, window_bounds = array<i64: 2, 1, 768>}, {transform_indices = @transform_4, window_bounds = array<i64: 2, 768, 768>}, {transform_indices = @transform_5, window_bounds = array<i64: 2, 1, 768>}, {pipeline_mode = #tpu.pipeline_mode<synchronous>, transform_indices = @transform_6, window_bounds = array<i64: 768, 10>}, {pipeline_mode = #tpu.pipeline_mode<synchronous>, transform_indices = @transform_7, window_bounds = array<i64: 1, 10>}, {pipeline_mode = #tpu.pipeline_mode<synchronous>, transform_indices = @transform_8, window_bounds = array<i64: 2, 10>}]} {
    %mul3A = arith.constant 2 : i32
    %mul3A_0 = arith.muli %arg0, %mul3A : i32
    %add3A = arith.constant 0 : i32
    %add3A_1 = arith.addi %mul3A_0, %add3A : i32
    %get3A = arith.index_cast %add3A_1 : i32 to index
    %get3A_2 = memref.load %arg1[%get3A] : memref<64xi32, #tpu.memory_space<smem>>
    %min3A = arith.constant 80 : i32
    %min3A_3 = arith.minsi %get3A_2, %min3A : i32
    %iota3A = tpu.iota {dimensions = array<i32: 0>} : vector<80x768xi32>
    %lt3A = vector.broadcast %min3A_3 : i32 to vector<80x768xi32>
    %lt3A_4 = arith.cmpi slt, %iota3A, %lt3A : vector<80x768xi32>
    %get3A_5 = arith.constant 0 : index
    %get3A_6 = arith.constant 0 : index
    %get3A_7 = vector.load %arg2[%get3A_5, %get3A_6] : memref<160x768xf32, #tpu.memory_space<vmem>>, vector<80x768xf32>
    %jit3A = arith.constant 0.000000e+00 : f32
    %broadcast_in_dim3A = vector.broadcast %jit3A : f32 to vector<80x768xf32>
    %select_n3A = arith.select %lt3A_4, %get3A_7, %broadcast_in_dim3A : vector<80x768xi1>, vector<80x768xf32>
    %iota3A_8 = tpu.iota {dimensions = array<i32: 0>} : vector<80x128xi32>
    %lt3A_9 = vector.broadcast %min3A_3 : i32 to vector<80x128xi32>
    %lt3A_10 = arith.cmpi slt, %iota3A_8, %lt3A_9 : vector<80x128xi32>
    %get3A_11 = arith.constant 0 : index
    %get3A_12 = arith.constant 0 : index
    %get3A_13 = vector.load %arg3[%get3A_11, %get3A_12] : memref<160x128xf32, #tpu.memory_space<vmem>>, vector<80x128xf32>
    %jit3A_14 = arith.constant 0.000000e+00 : f32
    %broadcast_in_dim3A_15 = vector.broadcast %jit3A_14 : f32 to vector<80x128xf32>
    %select_n3A_16 = arith.select %lt3A_10, %get3A_13, %broadcast_in_dim3A_15 : vector<80x128xi1>, vector<80x128xf32>
    %get3A_17 = arith.constant 0 : index
    %get3A_18 = arith.constant 0 : index
    %get3A_19 = arith.constant 0 : index
    %get3A_20 = vector.load %arg4[%get3A_17, %get3A_18, %get3A_19] : memref<2x768x768xf32, #tpu.memory_space<vmem>>, vector<1x768x768xf32>
    %get3A_21 = vector.shape_cast %get3A_20 : vector<1x768x768xf32> to vector<768x768xf32>
    %dot_general3A = arith.constant dense<0.000000e+00> : vector<80x768xf32>
    %dot_general3A_22 = tpu.matmul %select_n3A, %get3A_21, %dot_general3A {dimension_numbers = #tpu.dot_dimension_numbers<[1], [0], [0], [1], [0, 0, 1, 1], [], []>, transpose_lhs_hint = false} : vector<80x768xf32>, vector<768x768xf32>, vector<80x768xf32> -> vector<80x768xf32>
    %get3A_23 = arith.constant 0 : index
    %get3A_24 = arith.constant 0 : index
    %get3A_25 = arith.constant 0 : index
    %get3A_26 = vector.load %arg5[%get3A_23, %get3A_24, %get3A_25] : memref<2x1x768xf32, #tpu.memory_space<vmem>>, vector<1x1x768xf32>
    %get3A_27 = vector.shape_cast %get3A_26 : vector<1x1x768xf32> to vector<1x768xf32>
    %add3A_28 = vector.broadcast %get3A_27 : vector<1x768xf32> to vector<80x768xf32>
    %add3A_29 = arith.addf %dot_general3A_22, %add3A_28 : vector<80x768xf32>
    %max3A = arith.constant 0.000000e+00 : f32
    %max3A_30 = vector.broadcast %max3A : f32 to vector<80x768xf32>
    %max3A_31 = arith.maximumf %add3A_29, %max3A_30 : vector<80x768xf32>
    %dot_general3A_32 = arith.constant dense<0.000000e+00> : vector<128x768xf32>
    %dot_general3A_33 = tpu.matmul %select_n3A_16, %max3A_31, %dot_general3A_32 {dimension_numbers = #tpu.dot_dimension_numbers<[0], [0], [1], [1], [0, 1, 1, 1], [], []>, transpose_lhs_hint = false} : vector<80x128xf32>, vector<80x768xf32>, vector<128x768xf32> -> vector<128x768xf32>
    %get3A_34 = arith.constant 0 : index
    %get3A_35 = arith.constant 0 : index
    %get3A_36 = arith.constant 0 : index
    %get3A_37 = vector.load %arg6[%get3A_34, %get3A_35, %get3A_36] : memref<2x768x768xf32, #tpu.memory_space<vmem>>, vector<1x768x768xf32>
    %get3A_38 = vector.shape_cast %get3A_37 : vector<1x768x768xf32> to vector<768x768xf32>
    %dot_general3A_39 = arith.constant dense<0.000000e+00> : vector<128x768xf32>
    %dot_general3A_40 = tpu.matmul %dot_general3A_33, %get3A_38, %dot_general3A_39 {dimension_numbers = #tpu.dot_dimension_numbers<[1], [0], [0], [1], [0, 0, 1, 1], [], []>, transpose_lhs_hint = false} : vector<128x768xf32>, vector<768x768xf32>, vector<128x768xf32> -> vector<128x768xf32>
    %broadcast_in_dim3A_41 = arith.constant 1.000000e+00 : f32
    %broadcast_in_dim3A_42 = vector.broadcast %broadcast_in_dim3A_41 : f32 to vector<80x1xf32>
    %dot_general3A_43 = arith.constant dense<0.000000e+00> : vector<128x1xf32>
    %dot_general3A_44 = tpu.matmul %select_n3A_16, %broadcast_in_dim3A_42, %dot_general3A_43 {dimension_numbers = #tpu.dot_dimension_numbers<[0], [0], [1], [1], [0, 1, 1, 1], [], []>, transpose_lhs_hint = false} : vector<80x128xf32>, vector<80x1xf32>, vector<128x1xf32> -> vector<128x1xf32>
    %get3A_45 = arith.constant 0 : index
    %get3A_46 = arith.constant 0 : index
    %get3A_47 = arith.constant 0 : index
    %get3A_48 = vector.load %arg7[%get3A_45, %get3A_46, %get3A_47] : memref<2x1x768xf32, #tpu.memory_space<vmem>>, vector<1x1x768xf32>
    %get3A_49 = vector.shape_cast %get3A_48 : vector<1x1x768xf32> to vector<1x768xf32>
    %mul3A_50 = vector.broadcast %dot_general3A_44 : vector<128x1xf32> to vector<128x768xf32>
    %mul3A_51 = vector.broadcast %get3A_49 : vector<1x768xf32> to vector<128x768xf32>
    %mul3A_52 = arith.mulf %mul3A_50, %mul3A_51 : vector<128x768xf32>
    %add3A_53 = arith.addf %dot_general3A_40, %mul3A_52 : vector<128x768xf32>
    %mul3A_54 = arith.constant 2 : i32
    %mul3A_55 = arith.muli %arg0, %mul3A_54 : i32
    %add3A_56 = arith.constant 1 : i32
    %add3A_57 = arith.addi %mul3A_55, %add3A_56 : i32
    %get3A_58 = arith.index_cast %add3A_57 : i32 to index
    %get3A_59 = memref.load %arg1[%get3A_58] : memref<64xi32, #tpu.memory_space<smem>>
    %min3A_60 = arith.constant 80 : i32
    %min3A_61 = arith.minsi %get3A_59, %min3A_60 : i32
    %iota3A_62 = tpu.iota {dimensions = array<i32: 0>} : vector<80x768xi32>
    %lt3A_63 = vector.broadcast %min3A_61 : i32 to vector<80x768xi32>
    %lt3A_64 = arith.cmpi slt, %iota3A_62, %lt3A_63 : vector<80x768xi32>
    %get3A_65 = arith.constant 80 : index
    %get3A_66 = arith.constant 0 : index
    %get3A_67 = vector.load %arg2[%get3A_65, %get3A_66] : memref<160x768xf32, #tpu.memory_space<vmem>>, vector<80x768xf32>
    %jit3A_68 = arith.constant 0.000000e+00 : f32
    %broadcast_in_dim3A_69 = vector.broadcast %jit3A_68 : f32 to vector<80x768xf32>
    %select_n3A_70 = arith.select %lt3A_64, %get3A_67, %broadcast_in_dim3A_69 : vector<80x768xi1>, vector<80x768xf32>
    %iota3A_71 = tpu.iota {dimensions = array<i32: 0>} : vector<80x128xi32>
    %lt3A_72 = vector.broadcast %min3A_61 : i32 to vector<80x128xi32>
    %lt3A_73 = arith.cmpi slt, %iota3A_71, %lt3A_72 : vector<80x128xi32>
    %get3A_74 = arith.constant 80 : index
    %get3A_75 = arith.constant 0 : index
    %get3A_76 = vector.load %arg3[%get3A_74, %get3A_75] : memref<160x128xf32, #tpu.memory_space<vmem>>, vector<80x128xf32>
    %jit3A_77 = arith.constant 0.000000e+00 : f32
    %broadcast_in_dim3A_78 = vector.broadcast %jit3A_77 : f32 to vector<80x128xf32>
    %select_n3A_79 = arith.select %lt3A_73, %get3A_76, %broadcast_in_dim3A_78 : vector<80x128xi1>, vector<80x128xf32>
    %get3A_80 = arith.constant 1 : index
    %get3A_81 = arith.constant 0 : index
    %get3A_82 = arith.constant 0 : index
    %get3A_83 = vector.load %arg4[%get3A_80, %get3A_81, %get3A_82] : memref<2x768x768xf32, #tpu.memory_space<vmem>>, vector<1x768x768xf32>
    %get3A_84 = vector.shape_cast %get3A_83 : vector<1x768x768xf32> to vector<768x768xf32>
    %dot_general3A_85 = arith.constant dense<0.000000e+00> : vector<80x768xf32>
    %dot_general3A_86 = tpu.matmul %select_n3A_70, %get3A_84, %dot_general3A_85 {dimension_numbers = #tpu.dot_dimension_numbers<[1], [0], [0], [1], [0, 0, 1, 1], [], []>, transpose_lhs_hint = false} : vector<80x768xf32>, vector<768x768xf32>, vector<80x768xf32> -> vector<80x768xf32>
    %get3A_87 = arith.constant 1 : index
    %get3A_88 = arith.constant 0 : index
    %get3A_89 = arith.constant 0 : index
    %get3A_90 = vector.load %arg5[%get3A_87, %get3A_88, %get3A_89] : memref<2x1x768xf32, #tpu.memory_space<vmem>>, vector<1x1x768xf32>
    %get3A_91 = vector.shape_cast %get3A_90 : vector<1x1x768xf32> to vector<1x768xf32>
    %add3A_92 = vector.broadcast %get3A_91 : vector<1x768xf32> to vector<80x768xf32>
    %add3A_93 = arith.addf %dot_general3A_86, %add3A_92 : vector<80x768xf32>
    %max3A_94 = arith.constant 0.000000e+00 : f32
    %max3A_95 = vector.broadcast %max3A_94 : f32 to vector<80x768xf32>
    %max3A_96 = arith.maximumf %add3A_93, %max3A_95 : vector<80x768xf32>
    %dot_general3A_97 = arith.constant dense<0.000000e+00> : vector<128x768xf32>
    %dot_general3A_98 = tpu.matmul %select_n3A_79, %max3A_96, %dot_general3A_97 {dimension_numbers = #tpu.dot_dimension_numbers<[0], [0], [1], [1], [0, 1, 1, 1], [], []>, transpose_lhs_hint = false} : vector<80x128xf32>, vector<80x768xf32>, vector<128x768xf32> -> vector<128x768xf32>
    %get3A_99 = arith.constant 1 : index
    %get3A_100 = arith.constant 0 : index
    %get3A_101 = arith.constant 0 : index
    %get3A_102 = vector.load %arg6[%get3A_99, %get3A_100, %get3A_101] : memref<2x768x768xf32, #tpu.memory_space<vmem>>, vector<1x768x768xf32>
    %get3A_103 = vector.shape_cast %get3A_102 : vector<1x768x768xf32> to vector<768x768xf32>
    %dot_general3A_104 = arith.constant dense<0.000000e+00> : vector<128x768xf32>
    %dot_general3A_105 = tpu.matmul %dot_general3A_98, %get3A_103, %dot_general3A_104 {dimension_numbers = #tpu.dot_dimension_numbers<[1], [0], [0], [1], [0, 0, 1, 1], [], []>, transpose_lhs_hint = false} : vector<128x768xf32>, vector<768x768xf32>, vector<128x768xf32> -> vector<128x768xf32>
    %broadcast_in_dim3A_106 = arith.constant 1.000000e+00 : f32
    %broadcast_in_dim3A_107 = vector.broadcast %broadcast_in_dim3A_106 : f32 to vector<80x1xf32>
    %dot_general3A_108 = arith.constant dense<0.000000e+00> : vector<128x1xf32>
    %dot_general3A_109 = tpu.matmul %select_n3A_79, %broadcast_in_dim3A_107, %dot_general3A_108 {dimension_numbers = #tpu.dot_dimension_numbers<[0], [0], [1], [1], [0, 1, 1, 1], [], []>, transpose_lhs_hint = false} : vector<80x128xf32>, vector<80x1xf32>, vector<128x1xf32> -> vector<128x1xf32>
    %get3A_110 = arith.constant 1 : index
    %get3A_111 = arith.constant 0 : index
    %get3A_112 = arith.constant 0 : index
    %get3A_113 = vector.load %arg7[%get3A_110, %get3A_111, %get3A_112] : memref<2x1x768xf32, #tpu.memory_space<vmem>>, vector<1x1x768xf32>
    %get3A_114 = vector.shape_cast %get3A_113 : vector<1x1x768xf32> to vector<1x768xf32>
    %mul3A_115 = vector.broadcast %dot_general3A_109 : vector<128x1xf32> to vector<128x768xf32>
    %mul3A_116 = vector.broadcast %get3A_114 : vector<1x768xf32> to vector<128x768xf32>
    %mul3A_117 = arith.mulf %mul3A_115, %mul3A_116 : vector<128x768xf32>
    %add3A_118 = arith.addf %dot_general3A_105, %mul3A_117 : vector<128x768xf32>
    %add3A_119 = arith.addf %add3A_53, %add3A_118 : vector<128x768xf32>
    %eq3A = arith.constant 0 : i32
    %eq3A_120 = arith.cmpi eq, %arg0, %eq3A : i32
    %convert_element_type3A = arith.extui %eq3A_120 : i1 to i32
    %cond3A = arith.constant 0 : i32
    %cond3A_121 = arith.cmpi ne, %convert_element_type3A, %cond3A : i32
    scf.if %cond3A_121 {
      %swap3A = arith.constant 0 : index
      %swap3A_131 = arith.constant 0 : index
      %swap3A_132 = vector.load %arg11[%swap3A, %swap3A_131] : memref<128x768xf32, #tpu.memory_space<vmem>>, vector<128x768xf32>
      tpu.vector_store %arg11[%swap3A, %swap3A_131], %add3A_119 {strides = array<i32>} : memref<128x768xf32, #tpu.memory_space<vmem>>, vector<128x768xf32>,
    } else {
    }
    %ne3A = arith.constant 0 : i32
    %ne3A_122 = arith.cmpi ne, %arg0, %ne3A : i32
    %convert_element_type3A_123 = arith.extui %ne3A_122 : i1 to i32
    %cond3A_124 = arith.constant 0 : i32
    %cond3A_125 = arith.cmpi ne, %convert_element_type3A_123, %cond3A_124 : i32
    scf.if %cond3A_125 {
      %get3A_131 = arith.constant 0 : index
      %get3A_132 = arith.constant 0 : index
      %get3A_133 = vector.load %arg11[%get3A_131, %get3A_132] : memref<128x768xf32, #tpu.memory_space<vmem>>, vector<128x768xf32>
      %add3A_134 = arith.addf %get3A_133, %add3A_119 : vector<128x768xf32>
      %swap3A = arith.constant 0 : index
      %swap3A_135 = arith.constant 0 : index
      %swap3A_136 = vector.load %arg11[%swap3A, %swap3A_135] : memref<128x768xf32, #tpu.memory_space<vmem>>, vector<128x768xf32>
      tpu.vector_store %arg11[%swap3A, %swap3A_135], %add3A_134 {strides = array<i32>} : memref<128x768xf32, #tpu.memory_space<vmem>>, vector<128x768xf32>,
    } else {
    }
    %eq3A_126 = arith.constant 31 : i32
    %eq3A_127 = arith.cmpi eq, %arg0, %eq3A_126 : i32
    %convert_element_type3A_128 = arith.extui %eq3A_127 : i1 to i32
    %cond3A_129 = arith.constant 0 : i32
    %cond3A_130 = arith.cmpi ne, %convert_element_type3A_128, %cond3A_129 : i32
    scf.if %cond3A_130 {
      %get3A_131 = arith.constant 0 : index
      %get3A_132 = arith.constant 0 : index
      %get3A_133 = vector.load %arg11[%get3A_131, %get3A_132] : memref<128x768xf32, #tpu.memory_space<vmem>>, vector<128x768xf32>
      %mul3A_134 = arith.constant 4.8828125E-4 : f32
      %mul3A_135 = vector.broadcast %mul3A_134 : f32 to vector<128x768xf32>
      %mul3A_136 = arith.mulf %get3A_133, %mul3A_135 : vector<128x768xf32>
      %get3A_137 = arith.constant 0 : index
      %get3A_138 = arith.constant 0 : index
      %get3A_139 = vector.load %arg8[%get3A_137, %get3A_138] : memref<768x10xf32, #tpu.memory_space<vmem>>, vector<768x10xf32>
      %dot_general3A_140 = arith.constant dense<0.000000e+00> : vector<128x10xf32>
      %dot_general3A_141 = tpu.matmul %mul3A_136, %get3A_139, %dot_general3A_140 {dimension_numbers = #tpu.dot_dimension_numbers<[1], [0], [0], [1], [0, 0, 1, 1], [], []>, transpose_lhs_hint = false} : vector<128x768xf32>, vector<768x10xf32>, vector<128x10xf32> -> vector<128x10xf32>
      %get3A_142 = arith.constant 0 : index
      %get3A_143 = arith.constant 0 : index
      %get3A_144 = vector.load %arg9[%get3A_142, %get3A_143] : memref<1x10xf32, #tpu.memory_space<vmem>>, vector<1x10xf32>
      %add3A_145 = vector.broadcast %get3A_144 : vector<1x10xf32> to vector<128x10xf32>
      %add3A_146 = arith.addf %dot_general3A_141, %add3A_145 : vector<128x10xf32>
      %slice3A = vector.extract_strided_slice %add3A_146 {offsets = [0, 0], sizes = [2, 10], strides = [1, 1]} : vector<128x10xf32> to vector<2x10xf32>
      %swap3A = arith.constant 0 : index
      %swap3A_147 = arith.constant 0 : index
      %swap3A_148 = vector.load %arg10[%swap3A, %swap3A_147] : memref<2x10xf32, #tpu.memory_space<vmem>>, vector<2x10xf32>
      tpu.vector_store %arg10[%swap3A, %swap3A_147], %slice3A {strides = array<i32>} : memref<2x10xf32, #tpu.memory_space<vmem>>, vector<2x10xf32>,
    } else {
    }
    return
  }
  func.func @transform_0(%arg0: i32, %arg1: memref<64xi32, #tpu.memory_space<smem>>) -> (i32, i32) {
    %c0_i32 = arith.constant 0 : i32
    %c0_i32_0 = arith.constant 0 : i32
    return %arg0, %c0_i32 : i32, i32
  }
  func.func @transform_1(%arg0: i32, %arg1: memref<64xi32, #tpu.memory_space<smem>>) -> (i32, i32) {
    %c0_i32 = arith.constant 0 : i32
    %c0_i32_0 = arith.constant 0 : i32
    return %arg0, %c0_i32 : i32, i32
  }
  func.func @transform_2(%arg0: i32, %arg1: memref<64xi32, #tpu.memory_space<smem>>) -> (i32, i32, i32) {
    %c0_i32 = arith.constant 0 : i32
    %c0_i32_0 = arith.constant 0 : i32
    %c0_i32_1 = arith.constant 0 : i32
    return %arg0, %c0_i32, %c0_i32_0 : i32, i32, i32
  }
  func.func @transform_3(%arg0: i32, %arg1: memref<64xi32, #tpu.memory_space<smem>>) -> (i32, i32, i32) {
    %c0_i32 = arith.constant 0 : i32
    %c0_i32_0 = arith.constant 0 : i32
    %c0_i32_1 = arith.constant 0 : i32
    return %arg0, %c0_i32, %c0_i32_0 : i32, i32, i32
  }
  func.func @transform_4(%arg0: i32, %arg1: memref<64xi32, #tpu.memory_space<smem>>) -> (i32, i32, i32) {
    %c0_i32 = arith.constant 0 : i32
    %c0_i32_0 = arith.constant 0 : i32
    %c0_i32_1 = arith.constant 0 : i32
    return %arg0, %c0_i32, %c0_i32_0 : i32, i32, i32
  }
  func.func @transform_5(%arg0: i32, %arg1: memref<64xi32, #tpu.memory_space<smem>>) -> (i32, i32, i32) {
    %c0_i32 = arith.constant 0 : i32
    %c0_i32_0 = arith.constant 0 : i32
    %c0_i32_1 = arith.constant 0 : i32
    return %arg0, %c0_i32, %c0_i32_0 : i32, i32, i32
  }
  func.func @transform_6(%arg0: i32, %arg1: memref<64xi32, #tpu.memory_space<smem>>) -> (i32, i32) {
    %c0_i32 = arith.constant 0 : i32
    %c0_i32_0 = arith.constant 0 : i32
    %c0_i32_1 = arith.constant 0 : i32
    return %c0_i32, %c0_i32_0 : i32, i32
  }
  func.func @transform_7(%arg0: i32, %arg1: memref<64xi32, #tpu.memory_space<smem>>) -> (i32, i32) {
    %c0_i32 = arith.constant 0 : i32
    %c0_i32_0 = arith.constant 0 : i32
    %c0_i32_1 = arith.constant 0 : i32
    return %c0_i32, %c0_i32_0 : i32, i32
  }
  func.func @transform_8(%arg0: i32, %arg1: memref<64xi32, #tpu.memory_space<smem>>) -> (i32, i32) {
    %c0_i32 = arith.constant 0 : i32
    %c0_i32_0 = arith.constant 0 : i32
    %c0_i32_1 = arith.constant 0 : i32
    return %c0_i32, %c0_i32_0 : i32, i32
  }
}

</mosaic_0001>

<sc_bundles>
// kernel: kernel.5.cloned.1.call-start
scs
__scs_entry_jumppad:
0x0: {  	(pc) =	sbr.rel $0x88, $3  }
0x1: {  	(tag) =	ssettag $0x0;
	lr =	simm.s32 $0x1  }
0x2: {  	[smem:$0x3F99] =	sst lr;
	_ =	strace $0xD0000000  }
0x3: {  	_ = 	snop  }
0x4: {  	_ = 	snop  }
0x5: {  	_ = 	snop  }
0x6: {  	_ = 	snop  }
0x7: {  	_ = 	snop  }
__scs_overlays_trampoline_lowered:
0x8: {  	[smem:$0x3FA8] =	sst s0  }
0x9: {  	[smem:$0x3FA9] =	sst s1  }
0xa: {  	[smem:$0x3FAA] =	sst s2  }
0xb: {  	[smem:$0x3FAB] =	sst s3  }
0xc: {  	[smem:$0x3FAC] =	sst s4  }
0xd: {  	[smem:$0x3FAD] =	sst s5  }
0xe: {  	[smem:$0x3FAE] =	sst s6  }
0xf: {  	[smem:$0x3FAF] =	sst s7  }
0x10: {  	[smem:$0x3FB0] =	sst s8  }
0x11: {  	[smem:$0x3FB1] =	sst s9;
	s0 =	simm.s32 @!p0 $0x0  }
0x12: {  	s1 =	sld [smem:$0x3F97];
	s0 =	simm.s32 @p0 $0x1  }
0x13: {  	[smem:$0x3FB2] =	sst s0;
	s0 =	simm.s32 @!p1 $0x0  }
0x14: {  	s2 =	sld [smem:$0x3F96];
	s0 =	simm.s32 @p1 $0x1  }
0x15: {  	[smem:$0x3FB3] =	sst s0;
	s0 =	simm.s32 @!p2 $0x0  }
0x16: {  	s3 =	sld [smem:$0x3FDB];
	s0 =	simm.s32 @p2 $0x1  }
0x17: {  	s4 =	simm.s32 $0x1BF5;
	[smem:$0x3FB5] =	sst s0  }
0x18: {  	s0 =	sld [smem:$0x3F98];
	_ =	swait.ge [sflag:s4], $0x0  }
0x19: {  	s7 =	sld [smem:$0x3F99]  }
0x1a: {  	s8 =	sadd.s32 $0xFFFFE003, lr  }
0x1b: {  	s9 =	sadd.s32 $0xFFFFFEF7, lr;
	s5 =	simm.s32 $0xFFFFFFFF;
	p2 =	slt.u32 s8, $0xFFFFF086  }
0x1c: {  	p1 =	slt.u32 s9, $0xF7A;
	s5 =	simm.s32 @!p2 $0x0  }
0x1d: {  	s5 =	simm.s32 @p1 $0x1;
	p0 =	seq.s32 s7, s2  }
0x1e: {  	s7 =	smul.u32 @!p0 $0xF7A, s2;
	p2 =	seq.s32 @!p0 s5, $0x0  }
0x1f: {  	s9 =	smul.u32 $0xF7A, s1;
	s8 =	simm.s32 @!p0 $0x1BF5;
	p2 =	por !p2, p0  }
0x20: {  	[sflag:s8] =	ssyncset.s32 @!p0 $0xFFFFF086;
	s6 =	sadd.s32 @!p0 s3, s7;
	s7 =	simm.s32 @!p0 $0x108  }
0x21: {  	s3 =	sadd.s32 s3, s9;
	s6 =	sadd.s32 @!p0 $0x88, s6;
	s7 =	simm.s32 @p2 $0x1082  }
0x22: {  	[simem:s7], [sflag:s8] =	dma.local @!p0 [hbm:s6], $0xF7A  }
0x23: {  	s9 =	sor.u32 $0xD0000000, s2;
	s6 =	simm.s32 $0x108;
	_ =	swait.ge @!p0 [sflag:s8], $0x0  }
0x24: {  	s3 =	sadd.s32 $0x88, s3;
	s6 =	simm.s32 @!p1 $0x1082;
	[sflag:s4] =	ssyncset.s32 $0xFFFFF086  }
0x25: {  	[simem:s6], [sflag:s4] =	dma.local [hbm:s3], $0xF7A  }
0x26: {  	[smem:$0x3F99] =	sst s1;
	(tag) =	ssettag s2;
	_ =	strace s9  }
0x27: {  	s1 =	sld [smem:$0x3FA9]  }
0x28: {  	s2 =	sld [smem:$0x3FAA]  }
0x29: {  	s4 =	sld [smem:$0x3FAC]  }
0x2a: {  	p0 =	seq.s32 s5, $0x0;
	s5 =	sld [smem:$0x3FAD]  }
0x2b: {  	s6 =	sld [smem:$0x3FAE]  }
0x2c: {  	s7 =	sld [smem:$0x3FAF]  }
0x2d: {  	s3 =	simm.s32 $0x108;
	s8 =	sld [smem:$0x3FB0]  }
0x2e: {  	s3 =	simm.s32 @!p0 $0x1082;
	s9 =	sld [smem:$0x3FB1]  }
0x2f: {  	lr =	sadd.s32 s0, s3;
	s0 =	sld [smem:$0x3FA8]  }
0x30: {  	s3 =	sld [smem:$0x3FAB]  }
0x31: {  	[smem:$0x3FB4] =	sst s10  }
0x32: {  	s10 =	sld [smem:$0x3FB2];
	_ =	sdelay $0x3  }
0x33: {  	p0 =	seq.s32 s10, $0x1;
	s10 =	sld [smem:$0x3FB4];
	_ =	sdelay $0x3  }
0x34: {  	[smem:$0x3FB4] =	sst s10  }
0x35: {  	s10 =	sld [smem:$0x3FB3];
	_ =	sdelay $0x3  }
0x36: {  	p1 =	seq.s32 s10, $0x1;
	s10 =	sld [smem:$0x3FB4];
	_ =	sdelay $0x3  }
0x37: {  	[smem:$0x3FB4] =	sst s10  }
0x38: {  	s10 =	sld [smem:$0x3FB5]  }
0x39: {  	_ = 	snop;
	(pc) =	sbr.ind lr, $3  }
0x3a: {  	_ = 	snop  }
0x3b: {  	_ = 	snop  }
0x3c: {  	p2 =	seq.s32 s10, $0x1;
	s10 =	sld [smem:$0x3FB4]  }
0x3d: {  	_ =	shalt  }
0x3e: {  	_ =	shalt  }
0x3f: {  	_ =	shalt  }
0x40: {  	_ =	shalt  }
0x41: {  	_ =	shalt  }
0x42: {  	_ =	shalt  }
0x43: {  	_ =	shalt  }
0x44: {  	_ =	shalt  }
0x45: {  	_ =	shalt  }
0x46: {  	_ =	shalt  }
0x47: {  	_ =	shalt  }
0x48: {  	_ =	shalt  }
0x49: {  	_ =	shalt  }
0x4a: {  	_ =	shalt  }
0x4b: {  	_ =	shalt  }
0x4c: {  	_ =	shalt  }
0x4d: {  	_ =	shalt  }
0x4e: {  	_ =	shalt  }
0x4f: {  	_ =	shalt  }
0x50: {  	_ =	shalt  }
0x51: {  	_ =	shalt  }
0x52: {  	_ =	shalt  }
0x53: {  	_ =	shalt  }
0x54: {  	_ =	shalt  }
0x55: {  	_ =	shalt  }
0x56: {  	_ =	shalt  }
0x57: {  	_ =	shalt  }
0x58: {  	_ =	shalt  }
0x59: {  	_ =	shalt  }
0x5a: {  	_ =	shalt  }
0x5b: {  	_ =	shalt  }
0x5c: {  	_ =	shalt  }
0x5d: {  	_ =	shalt  }
0x5e: {  	_ =	shalt  }
0x5f: {  	_ =	shalt  }
0x60: {  	_ =	shalt  }
0x61: {  	_ =	shalt  }
0x62: {  	_ =	shalt  }
0x63: {  	_ =	shalt  }
0x64: {  	_ =	shalt  }
0x65: {  	_ =	shalt  }
0x66: {  	_ =	shalt  }
0x67: {  	_ =	shalt  }
0x68: {  	_ =	shalt  }
0x69: {  	_ =	shalt  }
0x6a: {  	_ =	shalt  }
0x6b: {  	_ =	shalt  }
0x6c: {  	_ =	shalt  }
0x6d: {  	_ =	shalt  }
0x6e: {  	_ =	shalt  }
0x6f: {  	_ =	shalt  }
0x70: {  	_ =	shalt  }
0x71: {  	_ =	shalt  }
0x72: {  	_ =	shalt  }
0x73: {  	_ =	shalt  }
0x74: {  	_ =	shalt  }
0x75: {  	_ =	shalt  }
0x76: {  	_ =	shalt  }
0x77: {  	_ =	shalt  }
0x78: {  	_ =	shalt  }
0x79: {  	_ =	shalt  }
0x7a: {  	_ =	shalt  }
0x7b: {  	_ =	shalt  }
0x7c: {  	_ =	shalt  }
0x7d: {  	_ =	shalt  }
0x7e: {  	_ =	shalt  }
0x7f: {  	_ =	shalt  }
0x80: {  	_ =	shalt  }
0x81: {  	_ =	shalt  }
0x82: {  	_ =	shalt  }
0x83: {  	_ =	shalt  }
0x84: {  	_ =	shalt  }
0x85: {  	_ =	shalt  }
0x86: {  	_ =	shalt  }
0x87: {  	_ =	shalt  }
.Lfunc_end0:
.L_simem_size_0:
called_computation_lowered:
.L_overlay_start_0:
0x88: {  	s2 =	sld [smem:$0x3FD9]  }
0x89: {  	s3 =	sld [smem:$0x3FFE];
	_ =	sdelay $0x1  }
0x8a: {  	s1 =	srdreg.scid  }
0x8b: {  	s0 =	sand.u32 $0x1, s1  }
0x8c: {  	s17 =	sshll.u32 s0, $0xA;
	s2 =	sadd.s32 s3, s2  }
0x8d: {  	s2 =	sadd.s32 s2, s17  }
0x8e: {  	[smem:$0x3FC0] =	sst s2  }
0x8f: {  	_ = 	snop  }
0x90: {  	s2 =	sld [smem:$0x3FC9];
	(tm) =	ssettm $0x1  }
0x91: {  	s18 =	sld [smem:$0x3FFB];
	_ =	sdelay $0x3  }
0x92: {  	_ =	strace s18  }
0x93: {  	s3 =	sld [smem:$0x3FFC];
	_ =	sdelay $0x3  }
0x94: {  	_ =	strace s3  }
0x95: {  	s3 =	sld [smem:$0x3FFD];
	_ =	sdelay $0x3  }
0x96: {  	_ =	strace s3  }
0x97: {  	_ =	strace $0x8FFFFFFF  }
0x98: {  	s19 =	sld [smem:$0x3FDB];
	_ =	sdelay $0x1  }
0x99: {  	s4 =	simm.s32 $_scs_section_size  }
0x9a: {  	s5 =	simm.s32 $_size__tile_overlayer_lowered;
	s6 =	simm.s32 $_tile_overlayer_lowered  }
0x9b: {  	s22 =	simm.s32 $0x1BFF;
	s21 =	sshll.u32 s6, $0x1;
	s3 =	sadd.s32 s4, s19  }
0x9c: {  	s7 =	simm.s32 $0x0;
	s20 =	sshll.u32 s5, $0x1;
	s5 =	sadd.s32 s21, s3  }
0x9d: {  	[timem:s7], [sflag:s22] =	dma.local [hbm:s5], s20  }
0x9e: {  	_ =	swait.ge [sflag:s22], s20  }
0x9f: {  	s4 =	ssub.s32 $0x0, s20;
	[sflag:s22] =	ssyncset.done $0x0  }
0xa0: {  	[sflag:s22] =	ssyncadd.s32 s4;
	_ =	sdelay $0x1  }
0xa1: {  	s23 =	simm.s32 $0x1B8B  }
0xa2: {  	_ =	swait.ge [sflag:s23], $0x1  }
0xa3: {  	[sflag:s23] =	ssyncset.done $0x0  }
0xa4: {  	s25 =	simm.s32 $0x1B8E;
	s24 =	sld [smem:$0x3FFE];
	[sflag:s23] =	ssyncadd.s32 $0xFFFFFFFF  }
0xa5: {  	s26 =	simm.s32 $execute0_lowered;
	[smem:$0x3FD2] =	sst s25  }
0xa6: {  	s5 =	sshll.u32 s26, $0x1;
	_ =	strace $0x80000046;
	[dreg:$0x1] =	wrdreg $0xFFFFFFFF  }
0xa7: {  	s28 =	simm.s32 $_size_execute0_lowered;
	s3 =	sadd.s32 s3, s5;
	[dreg:$0x0] =	wrdreg $0x0  }
0xa8: {  	s5 =	sshll.u32 s28, $0x1;
	[dreg:$0x2] =	wrdreg s3  }
0xa9: {  	[dreg:$0x3] =	wrdreg s5  }
0xaa: {  	[dreg:$0x4] =	wrdreg $0xC0  }
0xab: {  	_ =	task [dreg:s7], $0x5FFFF  }
0xac: {  	[dreg:$0x1] =	wrdreg $0xFFFFFFFF  }
0xad: {  	[dreg:$0x0] =	wrdreg $0x60  }
0xae: {  	[dreg:$0x2] =	wrdreg s2  }
0xaf: {  	[dreg:$0x3] =	wrdreg s24  }
0xb0: {  	[dreg:$0x4] =	wrdreg $0x9  }
0xb1: {  	_ =	task.clear_ibuf [dreg:s7], $0x5FFFF;
	_ =	strace $0x90000046  }
0xb2: {  	s29 =	simm.s32 $0x9;
	_ =	strace $0x80000048  }
0xb3: {  	_ =	swait.ge [sflag:s29], $0x1  }
0xb4: {  	[sflag:s29] =	ssyncadd.s32 $0xFFFFFFFF  }
0xb5: {  	_ =	strace $0x90000048  }
0xb6: {  	_ =	sfence  }
0xb7: {  	s30 =	sld [smem:$0x0];
	_ =	sdelay $0x2  }
0xb8: {  	s31 =	sshll.u32 s1, $0xD;
	s1 =	sshrl.u32 s1, $0x2  }
0xb9: {  	s3 =	sand.u32 $0x4000, s31;
	s1 =	sadd.s32 s1, s30  }
0xba: {  	s0 =	sor.u32 s3, s0;
	s1 =	sshll.u32 s1, $0x11  }
0xbb: {  	s0 =	sor.u32 s1, s0  }
0xbc: {  	s0 =	sadd.s32 $0x8F2B, s0  }
0xbd: {  	[sflag:s0] =	ssyncadd.remote.s32 $0x1  }
0xbe: {  	_ =	sfence.sel $0xFFFF  }
0xbf: {  	[dreg:$0x0] =	wrdreg $0xFFFFFFFF;
	(pc) =	sbr.abs _section_cstart, $3  }
0xc0: {  	[dreg:$0x1] =	wrdreg $0xFFFFFFFF  }
0xc1: {  	_ =	task.clear_ibuf [dreg:s7], $0x2FFFF;
	_ =	strace $0x9FFFFFFF  }
0xc2: {  	(tm) =	ssettm $0x7FFFFFFF  }
0xc3: {  	_ =	shalt  }
tec
execute0_lowered:
.L_overlay_start_1:
0x0: {  	(tag) =	ssettag $0x1  }
0x1: {  	s3 =	rddreg [dreg:$0x0]  }
0x2: {  	s0 =	rddreg [dreg:$0x1];
	s2 =	simm.s32 $0x0  }
0x3: {  	s17 =	simm.s32 $0x900;
	[smem:$0x7FF] =	sst s2  }
0x4: {  	s18 =	simm.s32 $0x1100;
	_ =	strace $0x80000047;
	[dreg:$0x9] =	wrdreg s17  }
0x5: {  	s19 =	simm.s32 $0x1900;
	[dreg:$0xa] =	wrdreg s18  }
0x6: {  	s20 =	simm.s32 $0x2100;
	[dreg:$0xb] =	wrdreg s19  }
0x7: {  	s21 =	simm.s32 $0x2900;
	[dreg:$0xc] =	wrdreg s20  }
0x8: {  	s22 =	simm.s32 $0x3100;
	[dreg:$0xd] =	wrdreg s21  }
0x9: {  	s23 =	simm.s32 $0x3900;
	[dreg:$0xe] =	wrdreg s22  }
0xa: {  	s24 =	simm.s32 $0x4100;
	[dreg:$0xf] =	wrdreg s23  }
0xb: {  	s25 =	simm.s32 $0x4900;
	[dreg:$0x10] =	wrdreg s24  }
0xc: {  	s1 =	stileid.u32;
	s26 =	simm.s32 $0x5100;
	[dreg:$0x11] =	wrdreg s25  }
0xd: {  	s10 =	sshll.u32 s1, $0x8;
	s1 =	simm.s32 $0x5900;
	[dreg:$0x12] =	wrdreg s26  }
0xe: {  	s4 =	srdreg.scid;
	[dreg:$0x13] =	wrdreg s1;
	s17 =	simm.s32 $0xB900  }
0xf: {  	s28 =	simm.s32 $0x15900;
	s18 =	simm.s32 $0xC900;
	[dreg:$0x1f] =	wrdreg s17  }
0x10: {  	s29 =	simm.s32 $0x16100;
	s19 =	simm.s32 $0xD100;
	[smem:$0x7F5] =	sst s18  }
0x11: {  	s30 =	simm.s32 $0x16900;
	s20 =	simm.s32 $0xD900;
	[smem:$0x7F6] =	sst s19  }
0x12: {  	s31 =	simm.s32 $0x17100;
	s21 =	simm.s32 $0xE100;
	[smem:$0x7F7] =	sst s20  }
0x13: {  	s5 =	sand.u32 $0x1, s4;
	s22 =	simm.s32 $0xE900;
	[smem:$0x7F8] =	sst s21  }
0x14: {  	s11 =	sadd.s32 $0x11C00, s0;
	s23 =	simm.s32 $0xF100;
	[smem:$0x7F9] =	sst s22  }
0x15: {  	s13 =	sadd.s32 $0x1C00, s0;
	s24 =	simm.s32 $0xF900;
	[smem:$0x7FA] =	sst s23  }
0x16: {  	s6 =	sshll.u32 s5, $0x7;
	s25 =	simm.s32 $0x10100;
	[smem:$0x7FB] =	sst s24  }
0x17: {  	s5 =	ssub.s32 $0x2, s5;
	s26 =	simm.s32 $0x10900;
	[smem:$0x7FC] =	sst s25  }
0x18: {  	s4 =	sor.u32 s6, s10;
	s17 =	simm.s32 $0x4;
	[smem:$0x7FD] =	sst s26  }
0x19: {  	s19 =	simm.s32 $0x11900;
	s20 =	simm.s32 $0x12100;
	s21 =	simm.s32 $0x12900  }
0x1a: {  	s22 =	simm.s32 $0x13100;
	s23 =	simm.s32 $0x13900;
	s24 =	simm.s32 $0x14100  }
0x1b: {  	s25 =	simm.s32 $0x14900;
	s26 =	simm.s32 $0x15100;
	s7 =	sshrl.u32 s4, $0x3  }
0x1c: {  	s8 =	sor.u32 $0x40, s4;
	s4 =	sshll.u32 s4, $0x4;
	s9 =	sadd.s32 s11, s7  }
0x1d: {  	s10 =	sshrl.u32 s8, $0x3;
	s4 =	sadd.s32 s13, s4;
	[dreg:$0x3] =	wrdreg s9  }
0x1e: {  	s14 =	sshll.u32 s8, $0x4;
	s8 =	simm.s32 $0x7900;
	[dreg:$0x6] =	wrdreg s4  }
0x1f: {  	s7 =	smul.u32 $0x300, s7;
	s6 =	sadd.s32 s11, s10;
	[dreg:$0x17] =	wrdreg s8  }
0x20: {  	s15 =	smul.u32 $0x300, s10;
	s16 =	sadd.s32 s13, s14;
	[dreg:$0x4] =	wrdreg s6  }
0x21: {  	s4 =	simm.s32 $0x6100;
	s9 =	simm.s32 $0x8100;
	[dreg:$0x7] =	wrdreg s16  }
0x22: {  	s10 =	simm.s32 $0x8900;
	s11 =	sshrl.u32 s5, $0x1;
	[dreg:$0x14] =	wrdreg s4  }
0x23: {  	s13 =	simm.s32 $0x9900;
	s14 =	simm.s32 $0xA100;
	[dreg:$0x18] =	wrdreg s9  }
0x24: {  	s8 =	simm.s32 $0x80;
	s12 =	sadd.s32 s3, s7;
	[dreg:$0x19] =	wrdreg s10  }
0x25: {  	s6 =	simm.s32 $0x6900;
	s7 =	simm.s32 $0x7100;
	[dreg:$0x1b] =	wrdreg s13  }
0x26: {  	s4 =	sadd.s32 $0x8A200, s0;
	[dreg:$0x1c] =	wrdreg s14;
	s16 =	simm.s32 $0xB100  }
0x27: {  	s9 =	simm.s32 $0x100;
	s10 =	simm.s32 $0x18100;
	[dreg:$0x5] =	wrdreg s12  }
0x28: {  	s13 =	simm.s32 $0x1;
	s14 =	simm.s32 $0x2;
	[dreg:$0x15] =	wrdreg s6  }
0x29: {  	s3 =	sadd.s32 s3, s15;
	[dreg:$0x16] =	wrdreg s7;
	s12 =	simm.s32 $0x9100  }
0x2a: {  	s7 =	ssub.s32 s5, s11;
	s5 =	sadd.s32 $0x11F00, s0;
	[dreg:$0x1e] =	wrdreg s16  }
0x2b: {  	s6 =	sadd.s32 $0x12000, s0;
	s15 =	simm.s32 $0xA900;
	[dreg:$0x8] =	wrdreg s3  }
0x2c: {  	v2 =	vlaneseq.u32;
	s11 =	simm.s32 $0x1A100;
	s16 =	simm.s32 $0x40;
	[dreg:$0x1a] =	wrdreg s12  }
0x2d: {  	vm0 =	vmmov $0xffff;
	v1 =	vshrl.u32 v2, $0x3;
	s3 =	sadd.s32 $0x11E00, s0;
	s7 =	smax.u32 s7, $0x1;
	[dreg:$0x1d] =	wrdreg s15  }
0x2e: {  	v0 =	vand.u32 $0x7, v2;
	v2 =	vor.u32 $0x8, v2;
	v1 =	vmul.u32 $0x8, v1;
	s12 =	simm.s32 $0xC100;
	s15 =	simm.s32 $0x3;
	s0 =	simm.s32 $0x17900  }
.LBB2_1:
0x2f: {  	s1 =	rddreg [dreg:$0x3]  }
0x30: {  	[tilespmem:s2], [sflag:$0x1] =	stream.linear.gather [hbm4b:s1+s2], $0x40, $0x38;
	[tilespmem:$0x1C100] =	vst v63  }
0x31: {  	s18 =	rddreg [dreg:$0x4]  }
0x32: {  	[tilespmem:s8], [sflag:$0x1] =	stream.linear.gather [hbm4b:s18+s2], $0x40, $0x38;
	[tilespmem:$0x1C100] =	vst v63  }
0x33: {  	s1 =	rddreg [dreg:$0x5]  }
0x34: {  	[tilespmem:s9], [sflag:$0x2] =	stream.linear.gather [hbm4b:s1+s2], $0xC000, $0x38;
	[tilespmem:$0x1C100] =	vst v63  }
0x35: {  	s18 =	rddreg [dreg:$0x6]  }
0x36: {  	[tilespmem:s10], [sflag:$0x3] =	stream.linear.gather [hbm4b:s18+s2], $0x2000, $0x38;
	[tilespmem:$0x1C100] =	vst v63  }
0x37: {  	s1 =	rddreg [dreg:$0x7]  }
0x38: {  	[tilespmem:s11], [sflag:$0x3] =	stream.linear.gather [hbm4b:s1+s2], $0x2000, $0x38;
	[tilespmem:$0x1C100] =	vst v63  }
0x39: {  	s18 =	rddreg [dreg:$0x8]  }
0x3a: {  	[tilespmem:s12], [sflag:$0x4] =	stream.linear.gather [hbm4b:s18+s2], $0xC000, $0x38;
	[tilespmem:$0x1C100] =	vst v63  }
0x3b: {  	_ =	swait.ge [sflag:s13], $0x40  }
0x3c: {  	[sflag:s13] =	ssyncset.done $0x0  }
0x3d: {  	[sflag:s13] =	ssyncadd.s32 $0xFFFFFFC0  }
0x3e: {  	_ =	swait.ge [sflag:s13], $0x40  }
0x3f: {  	[sflag:s13] =	ssyncset.done $0x0  }
0x40: {  	[sflag:s13] =	ssyncadd.s32 $0xFFFFFFC0  }
0x41: {  	_ =	swait.ge [sflag:s14], $0xC000  }
0x42: {  	[sflag:s14] =	ssyncset.done $0x0  }
0x43: {  	[sflag:s14] =	ssyncadd.s32 $0xFFFF4000  }
0x44: {  	v3 =	vld [tilespmem:$0x0];
	_ =	sdelay $0x4  }
0x45: {  	v4 =	vshrl.u32 v3, $0x3  }
0x46: {  	v4 =	vmul.u32 $0x30, v4  }
0x47: {  	v3 =	vand.u32 $0x7, v3  }
0x48: {  	v3 =	vor.u32 v3, v4  }
0x49: {  	v4 =	vperm.xlane v3, v0;
	_ =	sdelay $0x1  }
0x4a: {  	v4 =	vadd.s32 v1, v4;
	_ =	sdelay $0x3  }
0x4b: {  	v3 =	vperm.xlane v3, v2  }
0x4c: {  	[hbm4b:s3+s2] =	stream.indirect_vreg.scatter [tilespmem:s9], [sflag:$0x2], $0x80, v4, vm0, $0xb8;
	[tilespmem:$0x1C100] =	vst v63  }
0x4d: {  	s1 =	rddreg [dreg:$0x9];
	v3 =	vadd.s32 v1, v3  }
0x4e: {  	[hbm4b:s5+s2] =	stream.indirect_vreg.scatter [tilespmem:s1], [sflag:$0x2], $0x80, v4, vm0, $0xb8;
	[tilespmem:$0x1C100] =	vst v63  }
0x4f: {  	s18 =	rddreg [dreg:$0xa]  }
0x50: {  	[hbm4b:s6+s2] =	stream.indirect_vreg.scatter [tilespmem:s18], [sflag:$0x2], $0x80, v4, vm0, $0xb8;
	[tilespmem:$0x1C100] =	vst v63  }
0x51: {  	s1 =	rddreg [dreg:$0xb]  }
0x52: {  	[hbm4b:s3+s2] =	stream.indirect_vreg.scatter [tilespmem:s1], [sflag:$0x2], $0x80, v3, vm0, $0xb8;
	[tilespmem:$0x1C100] =	vst v63  }
0x53: {  	s18 =	rddreg [dreg:$0xc]  }
0x54: {  	[hbm4b:s5+s2] =	stream.indirect_vreg.scatter [tilespmem:s18], [sflag:$0x2], $0x80, v3, vm0, $0xb8;
	[tilespmem:$0x1C100] =	vst v63  }
0x55: {  	s1 =	rddreg [dreg:$0xd]  }
0x56: {  	[hbm4b:s6+s2] =	stream.indirect_vreg.scatter [tilespmem:s1], [sflag:$0x2], $0x80, v3, vm0, $0xb8;
	[tilespmem:$0x1C100] =	vst v63  }
0x57: {  	v3 =	vld [tilespmem:$0x10];
	_ =	sdelay $0x4  }
0x58: {  	v57 =	vshrl.u32 v3, $0x3  }
0x59: {  	v4 =	vmul.u32 $0x30, v57  }
0x5a: {  	v3 =	vand.u32 $0x7, v3  }
0x5b: {  	v3 =	vor.u32 v3, v4  }
0x5c: {  	v4 =	vperm.xlane v3, v0;
	_ =	sdelay $0x1  }
0x5d: {  	v4 =	vadd.s32 v1, v4;
	_ =	sdelay $0x3  }
0x5e: {  	s1 =	rddreg [dreg:$0xe];
	v3 =	vperm.xlane v3, v2  }
0x5f: {  	[hbm4b:s3+s2] =	stream.indirect_vreg.scatter [tilespmem:s1], [sflag:$0x2], $0x80, v4, vm0, $0xb8;
	[tilespmem:$0x1C100] =	vst v63  }
0x60: {  	s18 =	rddreg [dreg:$0xf];
	v3 =	vadd.s32 v1, v3  }
0x61: {  	[hbm4b:s5+s2] =	stream.indirect_vreg.scatter [tilespmem:s18], [sflag:$0x2], $0x80, v4, vm0, $0xb8;
	[tilespmem:$0x1C100] =	vst v63  }
0x62: {  	s1 =	rddreg [dreg:$0x10]  }
0x63: {  	[hbm4b:s6+s2] =	stream.indirect_vreg.scatter [tilespmem:s1], [sflag:$0x2], $0x80, v4, vm0, $0xb8;
	[tilespmem:$0x1C100] =	vst v63  }
0x64: {  	s18 =	rddreg [dreg:$0x11]  }
0x65: {  	[hbm4b:s3+s2] =	stream.indirect_vreg.scatter [tilespmem:s18], [sflag:$0x2], $0x80, v3, vm0, $0xb8;
	[tilespmem:$0x1C100] =	vst v63  }
0x66: {  	s1 =	rddreg [dreg:$0x12]  }
0x67: {  	[hbm4b:s5+s2] =	stream.indirect_vreg.scatter [tilespmem:s1], [sflag:$0x2], $0x80, v3, vm0, $0xb8;
	[tilespmem:$0x1C100] =	vst v63  }
0x68: {  	s18 =	rddreg [dreg:$0x13]  }
0x69: {  	[hbm4b:s6+s2] =	stream.indirect_vreg.scatter [tilespmem:s18], [sflag:$0x2], $0x80, v3, vm0, $0xb8;
	[tilespmem:$0x1C100] =	vst v63  }
0x6a: {  	v3 =	vld [tilespmem:$0x20];
	_ =	sdelay $0x4  }
0x6b: {  	v58 =	vshrl.u32 v3, $0x3  }
0x6c: {  	v4 =	vmul.u32 $0x30, v58  }
0x6d: {  	v3 =	vand.u32 $0x7, v3  }
0x6e: {  	v3 =	vor.u32 v3, v4  }
0x6f: {  	v4 =	vperm.xlane v3, v0;
	_ =	sdelay $0x1  }
0x70: {  	v4 =	vadd.s32 v1, v4;
	_ =	sdelay $0x3  }
0x71: {  	s1 =	rddreg [dreg:$0x14];
	v3 =	vperm.xlane v3, v2  }
0x72: {  	[hbm4b:s3+s2] =	stream.indirect_vreg.scatter [tilespmem:s1], [sflag:$0x2], $0x80, v4, vm0, $0xb8;
	[tilespmem:$0x1C100] =	vst v63  }
0x73: {  	s18 =	rddreg [dreg:$0x15];
	v3 =	vadd.s32 v1, v3  }
0x74: {  	[hbm4b:s5+s2] =	stream.indirect_vreg.scatter [tilespmem:s18], [sflag:$0x2], $0x80, v4, vm0, $0xb8;
	[tilespmem:$0x1C100] =	vst v63  }
0x75: {  	s1 =	rddreg [dreg:$0x16]  }
0x76: {  	[hbm4b:s6+s2] =	stream.indirect_vreg.scatter [tilespmem:s1], [sflag:$0x2], $0x80, v4, vm0, $0xb8;
	[tilespmem:$0x1C100] =	vst v63  }
0x77: {  	s18 =	rddreg [dreg:$0x17]  }
0x78: {  	[hbm4b:s3+s2] =	stream.indirect_vreg.scatter [tilespmem:s18], [sflag:$0x2], $0x80, v3, vm0, $0xb8;
	[tilespmem:$0x1C100] =	vst v63  }
0x79: {  	s1 =	rddreg [dreg:$0x18]  }
0x7a: {  	[hbm4b:s5+s2] =	stream.indirect_vreg.scatter [tilespmem:s1], [sflag:$0x2], $0x80, v3, vm0, $0xb8;
	[tilespmem:$0x1C100] =	vst v63  }
0x7b: {  	s18 =	rddreg [dreg:$0x19]  }
0x7c: {  	[hbm4b:s6+s2] =	stream.indirect_vreg.scatter [tilespmem:s18], [sflag:$0x2], $0x80, v3, vm0, $0xb8;
	[tilespmem:$0x1C100] =	vst v63  }
0x7d: {  	v3 =	vld [tilespmem:$0x30];
	_ =	sdelay $0x4  }
0x7e: {  	v59 =	vshrl.u32 v3, $0x3  }
0x7f: {  	v4 =	vmul.u32 $0x30, v59  }
0x80: {  	v3 =	vand.u32 $0x7, v3  }
0x81: {  	v3 =	vor.u32 v3, v4  }
0x82: {  	v4 =	vperm.xlane v3, v0;
	_ =	sdelay $0x1  }
0x83: {  	v4 =	vadd.s32 v1, v4;
	_ =	sdelay $0x3  }
0x84: {  	s1 =	rddreg [dreg:$0x1a];
	v3 =	vperm.xlane v3, v2  }
0x85: {  	[hbm4b:s3+s2] =	stream.indirect_vreg.scatter [tilespmem:s1], [sflag:$0x2], $0x80, v4, vm0, $0xb8;
	[tilespmem:$0x1C100] =	vst v63  }
0x86: {  	s18 =	rddreg [dreg:$0x1b];
	v3 =	vadd.s32 v1, v3  }
0x87: {  	[hbm4b:s5+s2] =	stream.indirect_vreg.scatter [tilespmem:s18], [sflag:$0x2], $0x80, v4, vm0, $0xb8;
	[tilespmem:$0x1C100] =	vst v63  }
0x88: {  	s1 =	rddreg [dreg:$0x1c]  }
0x89: {  	[hbm4b:s6+s2] =	stream.indirect_vreg.scatter [tilespmem:s1], [sflag:$0x2], $0x80, v4, vm0, $0xb8;
	[tilespmem:$0x1C100] =	vst v63  }
0x8a: {  	s18 =	rddreg [dreg:$0x1d]  }
0x8b: {  	[hbm4b:s3+s2] =	stream.indirect_vreg.scatter [tilespmem:s18], [sflag:$0x2], $0x80, v3, vm0, $0xb8;
	[tilespmem:$0x1C100] =	vst v63  }
0x8c: {  	s1 =	rddreg [dreg:$0x1e]  }
0x8d: {  	[hbm4b:s5+s2] =	stream.indirect_vreg.scatter [tilespmem:s1], [sflag:$0x2], $0x80, v3, vm0, $0xb8;
	[tilespmem:$0x1C100] =	vst v63  }
0x8e: {  	s18 =	rddreg [dreg:$0x1f]  }
0x8f: {  	[hbm4b:s6+s2] =	stream.indirect_vreg.scatter [tilespmem:s18], [sflag:$0x2], $0x80, v3, vm0, $0xb8;
	[tilespmem:$0x1C100] =	vst v63  }
0x90: {  	_ =	swait.ge [sflag:s15], $0x2000  }
0x91: {  	[sflag:s15] =	ssyncset.done $0x0  }
0x92: {  	[sflag:s15] =	ssyncadd.s32 $0xFFFFE000  }
0x93: {  	_ =	swait.ge [sflag:s15], $0x2000  }
0x94: {  	[sflag:s15] =	ssyncset.done $0x0  }
0x95: {  	[sflag:s15] =	ssyncadd.s32 $0xFFFFE000  }
0x96: {  	[hbm4b:s4+s16] =	stream.indirect.scatter [tilespmem:s10], [sflag:$0x3], $0x80, s2, s16, $0xb8;
	[tilespmem:$0x1C100] =	vst v63  }
0x97: {  	_ = 	snop  }
0x98: {  	[hbm4b:s4+s16] =	stream.indirect.scatter [tilespmem:s11], [sflag:$0x3], $0x80, s8, s16, $0xb8;
	[tilespmem:$0x1C100] =	vst v63  }
0x99: {  	_ =	swait.ge [sflag:s17], $0xC000  }
0x9a: {  	[sflag:s17] =	ssyncset.done $0x0  }
0x9b: {  	[sflag:s17] =	ssyncadd.s32 $0xFFFF4000  }
0x9c: {  	v3 =	vld [tilespmem:$0x80];
	_ =	sdelay $0x4  }
0x9d: {  	v60 =	vshrl.u32 v3, $0x3  }
0x9e: {  	v4 =	vmul.u32 $0x30, v60  }
0x9f: {  	v3 =	vand.u32 $0x7, v3  }
0xa0: {  	v3 =	vor.u32 v3, v4  }
0xa1: {  	v4 =	vperm.xlane v3, v0;
	_ =	sdelay $0x1  }
0xa2: {  	v4 =	vadd.s32 v1, v4;
	_ =	sdelay $0x3  }
0xa3: {  	s1 =	sld [smem:$0x7F5];
	v3 =	vperm.xlane v3, v2  }
0xa4: {  	[hbm4b:s3+s2] =	stream.indirect_vreg.scatter [tilespmem:s12], [sflag:$0x4], $0x80, v4, vm0, $0xb8;
	[tilespmem:$0x1C100] =	vst v63  }
0xa5: {  	s18 =	sld [smem:$0x7F6];
	v3 =	vadd.s32 v1, v3  }
0xa6: {  	[hbm4b:s5+s2] =	stream.indirect_vreg.scatter [tilespmem:s1], [sflag:$0x4], $0x80, v4, vm0, $0xb8;
	[tilespmem:$0x1C100] =	vst v63  }
0xa7: {  	s1 =	sld [smem:$0x7F7]  }
0xa8: {  	[hbm4b:s6+s2] =	stream.indirect_vreg.scatter [tilespmem:s18], [sflag:$0x4], $0x80, v4, vm0, $0xb8;
	[tilespmem:$0x1C100] =	vst v63  }
0xa9: {  	s18 =	sld [smem:$0x7F8]  }
0xaa: {  	[hbm4b:s3+s2] =	stream.indirect_vreg.scatter [tilespmem:s1], [sflag:$0x4], $0x80, v3, vm0, $0xb8;
	[tilespmem:$0x1C100] =	vst v63  }
0xab: {  	s1 =	sld [smem:$0x7F9]  }
0xac: {  	[hbm4b:s5+s2] =	stream.indirect_vreg.scatter [tilespmem:s18], [sflag:$0x4], $0x80, v3, vm0, $0xb8;
	[tilespmem:$0x1C100] =	vst v63  }
0xad: {  	_ = 	snop  }
0xae: {  	[hbm4b:s6+s2] =	stream.indirect_vreg.scatter [tilespmem:s1], [sflag:$0x4], $0x80, v3, vm0, $0xb8;
	[tilespmem:$0x1C100] =	vst v63  }
0xaf: {  	v3 =	vld [tilespmem:$0x90];
	_ =	sdelay $0x4  }
0xb0: {  	v61 =	vshrl.u32 v3, $0x3  }
0xb1: {  	v4 =	vmul.u32 $0x30, v61  }
0xb2: {  	v3 =	vand.u32 $0x7, v3  }
0xb3: {  	v3 =	vor.u32 v3, v4  }
0xb4: {  	v4 =	vperm.xlane v3, v0;
	_ =	sdelay $0x1  }
0xb5: {  	v4 =	vadd.s32 v1, v4;
	_ =	sdelay $0x1  }
0xb6: {  	s1 =	sld [smem:$0x7FA];
	_ =	sdelay $0x1  }
0xb7: {  	s18 =	sld [smem:$0x7FB];
	v3 =	vperm.xlane v3, v2  }
0xb8: {  	[hbm4b:s3+s2] =	stream.indirect_vreg.scatter [tilespmem:s1], [sflag:$0x4], $0x80, v4, vm0, $0xb8;
	[tilespmem:$0x1C100] =	vst v63  }
0xb9: {  	v3 =	vadd.s32 v1, v3;
	s1 =	sld [smem:$0x7FC]  }
0xba: {  	[hbm4b:s5+s2] =	stream.indirect_vreg.scatter [tilespmem:s18], [sflag:$0x4], $0x80, v4, vm0, $0xb8;
	[tilespmem:$0x1C100] =	vst v63  }
0xbb: {  	s18 =	sld [smem:$0x7FD]  }
0xbc: {  	[hbm4b:s6+s2] =	stream.indirect_vreg.scatter [tilespmem:s1], [sflag:$0x4], $0x80, v4, vm0, $0xb8;
	[tilespmem:$0x1C100] =	vst v63  }
0xbd: {  	_ = 	snop  }
0xbe: {  	[hbm4b:s3+s2] =	stream.indirect_vreg.scatter [tilespmem:s18], [sflag:$0x4], $0x80, v3, vm0, $0xb8;
	[tilespmem:$0x1C100] =	vst v63  }
0xbf: {  	s18 =	simm.s32 $0x11100  }
0xc0: {  	[hbm4b:s5+s2] =	stream.indirect_vreg.scatter [tilespmem:s18], [sflag:$0x4], $0x80, v3, vm0, $0xb8;
	[tilespmem:$0x1C100] =	vst v63  }
0xc1: {  	_ = 	snop  }
0xc2: {  	[hbm4b:s6+s2] =	stream.indirect_vreg.scatter [tilespmem:s19], [sflag:$0x4], $0x80, v3, vm0, $0xb8;
	[tilespmem:$0x1C100] =	vst v63  }
0xc3: {  	v3 =	vld [tilespmem:$0xA0];
	_ =	sdelay $0x4  }
0xc4: {  	v62 =	vshrl.u32 v3, $0x3  }
0xc5: {  	v4 =	vmul.u32 $0x30, v62  }
0xc6: {  	v3 =	vand.u32 $0x7, v3  }
0xc7: {  	v3 =	vor.u32 v3, v4  }
0xc8: {  	v4 =	vperm.xlane v3, v0;
	_ =	sdelay $0x1  }
0xc9: {  	v4 =	vadd.s32 v1, v4;
	_ =	sdelay $0x3  }
0xca: {  	v3 =	vperm.xlane v3, v2  }
0xcb: {  	[hbm4b:s3+s2] =	stream.indirect_vreg.scatter [tilespmem:s20], [sflag:$0x4], $0x80, v4, vm0, $0xb8;
	[tilespmem:$0x1C100] =	vst v63  }
0xcc: {  	v3 =	vadd.s32 v1, v3  }
0xcd: {  	[hbm4b:s5+s2] =	stream.indirect_vreg.scatter [tilespmem:s21], [sflag:$0x4], $0x80, v4, vm0, $0xb8;
	[tilespmem:$0x1C100] =	vst v63  }
0xce: {  	_ = 	snop  }
0xcf: {  	[hbm4b:s6+s2] =	stream.indirect_vreg.scatter [tilespmem:s22], [sflag:$0x4], $0x80, v4, vm0, $0xb8;
	[tilespmem:$0x1C100] =	vst v63  }
0xd0: {  	_ = 	snop  }
0xd1: {  	[hbm4b:s3+s2] =	stream.indirect_vreg.scatter [tilespmem:s23], [sflag:$0x4], $0x80, v3, vm0, $0xb8;
	[tilespmem:$0x1C100] =	vst v63  }
0xd2: {  	_ = 	snop  }
0xd3: {  	[hbm4b:s5+s2] =	stream.indirect_vreg.scatter [tilespmem:s24], [sflag:$0x4], $0x80, v3, vm0, $0xb8;
	[tilespmem:$0x1C100] =	vst v63  }
0xd4: {  	_ = 	snop  }
0xd5: {  	[hbm4b:s6+s2] =	stream.indirect_vreg.scatter [tilespmem:s25], [sflag:$0x4], $0x80, v3, vm0, $0xb8;
	[tilespmem:$0x1C100] =	vst v63  }
0xd6: {  	v3 =	vld [tilespmem:$0xB0];
	_ =	sdelay $0x4  }
0xd7: {  	v63 =	vshrl.u32 v3, $0x3  }
0xd8: {  	v4 =	vmul.u32 $0x30, v63  }
0xd9: {  	v3 =	vand.u32 $0x7, v3  }
0xda: {  	v3 =	vor.u32 v3, v4  }
0xdb: {  	v4 =	vperm.xlane v3, v0;
	_ =	sdelay $0x1  }
0xdc: {  	v4 =	vadd.s32 v1, v4;
	_ =	sdelay $0x3  }
0xdd: {  	v3 =	vperm.xlane v3, v2  }
0xde: {  	[hbm4b:s3+s2] =	stream.indirect_vreg.scatter [tilespmem:s26], [sflag:$0x4], $0x80, v4, vm0, $0xb8;
	[tilespmem:$0x1C100] =	vst v63  }
0xdf: {  	v3 =	vadd.s32 v1, v3  }
0xe0: {  	[hbm4b:s5+s2] =	stream.indirect_vreg.scatter [tilespmem:s28], [sflag:$0x4], $0x80, v4, vm0, $0xb8;
	[tilespmem:$0x1C100] =	vst v63  }
0xe1: {  	_ = 	snop  }
0xe2: {  	[hbm4b:s6+s2] =	stream.indirect_vreg.scatter [tilespmem:s29], [sflag:$0x4], $0x80, v4, vm0, $0xb8;
	[tilespmem:$0x1C100] =	vst v63  }
0xe3: {  	_ = 	snop  }
0xe4: {  	[hbm4b:s3+s2] =	stream.indirect_vreg.scatter [tilespmem:s30], [sflag:$0x4], $0x80, v3, vm0, $0xb8;
	[tilespmem:$0x1C100] =	vst v63  }
0xe5: {  	_ = 	snop  }
0xe6: {  	[hbm4b:s5+s2] =	stream.indirect_vreg.scatter [tilespmem:s31], [sflag:$0x4], $0x80, v3, vm0, $0xb8;
	[tilespmem:$0x1C100] =	vst v63  }
0xe7: {  	_ = 	snop  }
0xe8: {  	[hbm4b:s6+s2] =	stream.indirect_vreg.scatter [tilespmem:s0], [sflag:$0x4], $0x80, v3, vm0, $0xb8;
	[tilespmem:$0x1C100] =	vst v63  }
0xe9: {  	_ =	swait.ge [sflag:s14], $0xC000  }
0xea: {  	[sflag:s14] =	ssyncset.done $0x0  }
0xeb: {  	[sflag:s14] =	ssyncadd.s32 $0xFFFF4000  }
0xec: {  	_ =	swait.ge [sflag:s15], $0x2000  }
0xed: {  	[sflag:s15] =	ssyncset.done $0x0  }
0xee: {  	[sflag:s15] =	ssyncadd.s32 $0xFFFFE000  }
0xef: {  	p0 =	sne.s32 s7, $0x1;
	_ =	swait.ge [sflag:s15], $0x2000  }
.Ltmp0:
0xf0: {  	[sflag:s15] =	ssyncset.done $0x0;
	(pc) =	sbr.rel @p0 .LBB2_1-.Ltmp0, $4  }
0xf1: {  	[sflag:s15] =	ssyncadd.s32 $0xFFFFE000  }
0xf2: {  	_ =	swait.ge [sflag:s17], $0xC000  }
0xf3: {  	[sflag:s17] =	ssyncset.done $0x0  }
0xf4: {  	s7 =	sadd.s32 $0xFFFFFFFF, s7;
	[sflag:s17] =	ssyncadd.s32 $0xFFFF4000  }
0xf5: {  	_ =	sfence.sel $0x180000  }
0xf6: {  	[bflag:$0x0] =	sbarrier.arrive $0xFFFF  }
0xf7: {  	_ =	strace $0x90000047  }
0xf8: {  	s0 =	stileid.u32;
	[bflag:$0x2] =	sbarrier.arrive $0xFFFF  }
0xf9: {  	p0 =	sne.s32 s0, $0x0;
	s0 =	rddreg [dreg:$0x2]  }
0xfa: {  	s0 =	sadd.s32 @!p0 $0x100000, s0  }
0xfb: {  	[sflag:s0] =	ssyncadd.tile.s32 @!p0 $0x1;
	_ =	shalt  }
.Lfunc_end2:
_tile_overlayer_lowered:
.L_overlay_start_2:
0xfc: {  	(tag) =	ssettag $0x2  }
0xfd: {  	s0 =	rddreg [dreg:$0x0];
	s2 =	stileid.u32  }
0xfe: {  	s1 =	rddreg [dreg:$0x1];
	p0 =	sne.s32 s2, $0x0  }
0xff: {  	s3 =	rddreg [dreg:$0x2];
	[bflag:$0x3] =	sbarrier.arrive $0xFFFF;
	s2 =	simm.s32 @!p0 $0x1C05  }
0x100: {  	[timem:s3], [sflag:s2] =	dma.local @!p0 [hbm:s0], s1  }
0x101: {  	s0 =	simm.s32 @!p0 $0x5  }
0x102: {  	_ =	swait.ge @!p0 [sflag:s0], s1  }
0x103: {  	s1 =	ssub.s32 @!p0 $0x0, s1;
	[sflag:s0] =	ssyncset.done @!p0 $0x0  }
0x104: {  	[sflag:s0] =	ssyncadd.s32 @!p0 s1  }
0x105: {  	[bflag:$0x3] =	sbarrier.arrive $0xFFFF  }
0x106: {  	_ =	shalt  }

</sc_bundles>
